<compile_context>
chip_gen: v7x
topology: tpu7x:2x2x1
jax: 0.10.2.dev20260603
libtpu: 0.0.44.dev20260713+nightly
codegen_flags: <defaults>
</compile_context>

<pallas_src>
import functools

import jax
import jax.numpy as jnp
from jax import lax
from jax.experimental import pallas as pl
from jax.experimental.pallas import tpu as pltpu
from jax.experimental.pallas import tpu_sc as plsc

_TOKENS = 2048
_EXPERTS = 8
_BT = 128

_NW = 32
_TPW = _TOKENS // _NW
_ROWW = _TOKENS // 4
_TILEW = _EXPERTS * _ROWW


def _tc_body(x_ref, w_ref, comb_ref, nzb_ref, ent_ref):
    i = pl.program_id(0)

    logits = jax.lax.dot_general(
        x_ref[...], w_ref[...],
        dimension_numbers=(((1,), (1,)), ((), ())),
        preferred_element_type=jnp.float32,
    )
    m = jnp.max(logits, axis=1, keepdims=True)
    e = jnp.exp(logits - m)
    s = jnp.sum(e, axis=1, keepdims=True)
    gates = e / s

    logp = jnp.log(jnp.clip(gates, 1e-9, 1.0))
    block_ent = -jnp.sum(gates * logp) * (1.0 / _TOKENS)

    @pl.when(i == 0)
    def _():
        ent_ref[0, 0] = 0.0

    ent_ref[0, 0] += block_ent

    row = jax.lax.broadcasted_iota(jnp.int32, (_BT, _EXPERTS, _TOKENS), 0)
    col = jax.lax.broadcasted_iota(jnp.int32, (_BT, _EXPERTS, _TOKENS), 2)
    eq = (row + i * _BT) == col
    comb_ref[...] = jnp.where(eq, gates[:, :, None], 0.0)
    nzb_ref[...] = (gates != 0.0).astype(jnp.int32)


def _tc_part(x, W):
    grid = (_TOKENS // _BT,)
    return pl.pallas_call(
        _tc_body,
        grid=grid,
        in_specs=[
            pl.BlockSpec((_BT, x.shape[1]), lambda i: (i, 0)),
            pl.BlockSpec((_EXPERTS, x.shape[1]), lambda i: (0, 0)),
        ],
        out_specs=[
            pl.BlockSpec((_BT, _EXPERTS, _TOKENS), lambda i: (i, 0, 0)),
            pl.BlockSpec((_BT, _EXPERTS), lambda i: (i, 0)),
            pl.BlockSpec(memory_space=pltpu.SMEM),
        ],
        out_shape=[
            jax.ShapeDtypeStruct((_TOKENS, _EXPERTS, _TOKENS), jnp.float32),
            jax.ShapeDtypeStruct((_TOKENS, _EXPERTS), jnp.int32),
            jax.ShapeDtypeStruct((1, 1), jnp.float32),
        ],
    )(x, W)


def _sc_mask_body(nzb_hbm, mask_hbm, nz_v, tile0, tile1, sem0, sem1):
    c = lax.axis_index("c")
    s = lax.axis_index("s")
    w = s * 2 + c
    base = w * _TPW

    pltpu.sync_copy(nzb_hbm.at[pl.ds(base * _EXPERTS, _TPW * _EXPERTS)], nz_v)

    tiles = (tile0, tile1)
    sems = (sem0, sem1)

    zeros16 = jnp.zeros((16,), jnp.int32)

    def zbody(k, carry):
        tile0[pl.ds(k * 16, 16)] = zeros16
        tile1[pl.ds(k * 16, 16)] = zeros16
        return carry
    lax.fori_loop(0, _TILEW // 16, zbody, 0)

    lanes = lax.iota(jnp.int32, 16)
    lo_mask = lanes < _EXPERTS
    hi_mask = lanes >= _EXPERTS
    lo_rows = lanes * _ROWW
    hi_rows = (lanes - _EXPERTS) * _ROWW
    row_base = (lo_rows, hi_rows)
    row_mask = (lo_mask, hi_mask)

    def stamp_and_fire(jj, b, vals16):
        t = base + jj * 2 + b
        idx = row_base[b] + t // 4
        stamped = lax.shift_left(vals16, (t % 4) * 8)
        plsc.store_scatter(tiles[b], [idx], stamped, mask=row_mask[b])
        pltpu.async_copy(tiles[b], mask_hbm.at[t], sems[b])

    def drain_and_clear(jj, b):
        t = base + jj * 2 + b
        pltpu.make_async_copy(tiles[b], mask_hbm.at[t], sems[b]).wait()
        idx = row_base[b] + t // 4
        plsc.store_scatter(tiles[b], [idx], zeros16, mask=row_mask[b])

    v0 = nz_v[pl.ds(0, 16)]
    stamp_and_fire(0, 0, v0)
    stamp_and_fire(0, 1, v0)

    def main(jj, carry):
        drain_and_clear(jj - 1, 0)
        drain_and_clear(jj - 1, 1)
        vals16 = nz_v[pl.ds(jj * 16, 16)]
        stamp_and_fire(jj, 0, vals16)
        stamp_and_fire(jj, 1, vals16)
        return carry
    lax.fori_loop(1, _TPW // 2, main, 0)

    for b in range(2):
        t = base + _TPW - 2 + b
        pltpu.make_async_copy(tiles[b], mask_hbm.at[t], sems[b]).wait()


def _sc_mask(nzb_flat):
    mesh = plsc.VectorSubcoreMesh(core_axis_name="c", subcore_axis_name="s")
    f = functools.partial(
        pl.kernel,
        mesh=mesh,
        out_type=jax.ShapeDtypeStruct((_TOKENS, _TILEW), jnp.int32),
        scratch_types=[
            pltpu.VMEM((_TPW * _EXPERTS,), jnp.int32),
            pltpu.VMEM((_TILEW,), jnp.int32),
            pltpu.VMEM((_TILEW,), jnp.int32),
            pltpu.SemaphoreType.DMA,
            pltpu.SemaphoreType.DMA,
        ],
        compiler_params=pltpu.CompilerParams(needs_layout_passes=False),
    )(_sc_mask_body)
    return f(nzb_flat)


@jax.jit
def kernel(x, W):
    comb, nzb, ent = _tc_part(x, W)
    mask_i32 = _sc_mask(nzb.reshape(-1))
    mask = mask_i32.view(jnp.int8).view(jnp.bool_).reshape(
        _TOKENS, _EXPERTS, _TOKENS)
    return comb, mask, ent.reshape(())

# --- scband reference (transcript-rebuilt; emitter-appended) ---
"""Pipeline reference for scband-top-kgate-83416854823545 (READ-ONLY COPY).

The authoritative reference and input builder live on the scoring server;
editing this copy changes nothing except your own understanding.
"""

import jax, jax.numpy as jnp
import numpy as np

TOKENS = 2048
MODEL_DIM = 2048
NUM_EXPERTS = 8


def setup_inputs(seed: int = 0) -> dict:
    key = jax.random.key(seed)
    k1, k2 = jax.random.split(key)
    x = jax.random.normal(k1, (TOKENS, MODEL_DIM), dtype=jnp.float32)
    # nn.Linear(model_dim, num_experts, bias=False): weight shape [num_experts, model_dim]
    bound = 1.0 / np.sqrt(MODEL_DIM)
    W = jax.random.uniform(k2, (NUM_EXPERTS, MODEL_DIM), dtype=jnp.float32, minval=-bound, maxval=bound)
    return {"x": x, "W": W}


def _entropy(probs):
    logp = jnp.log(jnp.clip(probs, 1e-9, 1.0))
    return -jnp.sum(probs * logp, axis=-1)


def reference(x, W):
    # logits = self.wg(input)
    logits = x @ W.T
    # args.use_gumbel_softmax is False -> plain softmax
    gates = jax.nn.softmax(logits, axis=1)
    entropy_gating = jnp.mean(_entropy(gates))
    num_tokens, num_experts = gates.shape
    # combine_sec = torch.diag_embed(gates.permute(1, 0)).permute(1, 0, 2)
    # -> shape [num_tokens, num_experts, capacity=num_tokens], with
    # combine_sec[t, e, t] = gates[t, e] and zeros elsewhere.
    idx = jnp.arange(num_tokens)
    combine_sec = jnp.zeros((num_tokens, num_experts, num_tokens), dtype=gates.dtype)
    combine_sec = combine_sec.at[idx, :, idx].set(gates)
    dispatch_mask = combine_sec.astype(bool)
    # l_aux is None in the original; return the array outputs + entropy metadata
    return (combine_sec, dispatch_mask, entropy_gating)

if __name__ == "__main__":
    import jax
    _d = setup_inputs()
    print(jax.jit(kernel)(*tuple(_d.values())))

</pallas_src>

<mosaic_0001>
#map = affine_map<(d0, d1) -> (0)>
#map1 = affine_map<(d0, d1) -> (0, 0)>
module attributes {stable_mosaic.version = 14 : i64} {
  func.func @_sc_mask_body(%arg0: i32, %arg1: i32, %arg2: memref<16384xi32, #tpu.memory_space<hbm>>, %arg3: memref<2048x4096xi32, #tpu.memory_space<hbm>>, %arg4: memref<512xi32, #tpu.memory_space<vmem>>, %arg5: memref<4096xi32, #tpu.memory_space<vmem>>, %arg6: memref<4096xi32, #tpu.memory_space<vmem>>, %arg7: memref<!tpu.dma_semaphore, #tpu.memory_space<semaphore_mem>>, %arg8: memref<!tpu.dma_semaphore, #tpu.memory_space<semaphore_mem>>) attributes {dimension_semantics = [#tpu.dimension_semantics<core_parallel>, #tpu.dimension_semantics<subcore_parallel>], iteration_bounds = array<i64: 2, 16>, scalar_prefetch = 0 : i64, scratch_operands = 5 : i64, tpu.core_type = #tpu.core_type<sc_vector_subcore>, window_params = [{transform_indices = #map}, {transform_indices = #map1}]} {
    %mul3A = arith.constant 2 : i32
    %mul3A_0 = arith.muli %arg1, %mul3A : i32
    %add3A = arith.addi %mul3A_0, %arg0 : i32
    %mul3A_1 = arith.constant 64 : i32
    %mul3A_2 = arith.muli %add3A, %mul3A_1 : i32
    %mul3A_3 = arith.constant 8 : i32
    %mul3A_4 = arith.muli %mul3A_2, %mul3A_3 : i32
    "tpu.region"() ({
      %run_scoped3A = tpu.sem_alloc : memref<!tpu.dma_semaphore, #tpu.memory_space<semaphore_mem>>
      %dma_start3A_155 = tpu.memref_slice %arg2[%mul3A_4] : memref<16384xi32, #tpu.memory_space<hbm>> -> memref<512xi32, #tpu.memory_space<hbm>>
      %dma_start3A_156 = tpu.memref_slice %arg2[%mul3A_4] : memref<16384xi32, #tpu.memory_space<hbm>> -> memref<512xi32, #tpu.memory_space<hbm>>
      tpu.enqueue_dma source(%dma_start3A_156 : memref<512xi32, #tpu.memory_space<hbm>>) target(%arg4 : memref<512xi32, #tpu.memory_space<vmem>>) target_semaphore(%run_scoped3A : memref<!tpu.dma_semaphore, #tpu.memory_space<semaphore_mem>>)
      %dma_wait3A_157 = tpu.memref_slice %arg2[%mul3A_4] : memref<16384xi32, #tpu.memory_space<hbm>> -> memref<512xi32, #tpu.memory_space<hbm>>
      %dma_wait3A_158 = tpu.memref_slice %arg2[%mul3A_4] : memref<16384xi32, #tpu.memory_space<hbm>> -> memref<512xi32, #tpu.memory_space<hbm>>
      tpu.wait_dma2 semaphore(%run_scoped3A : memref<!tpu.dma_semaphore, #tpu.memory_space<semaphore_mem>>) src(%dma_wait3A_158 : memref<512xi32, #tpu.memory_space<hbm>>) dst(%arg4 : memref<512xi32, #tpu.memory_space<vmem>>)
      tpu.yield
    }) : () -> ()
    %broadcast_in_dim3A = arith.constant 0 : i32
    %broadcast_in_dim3A_5 = vector.broadcast %broadcast_in_dim3A : i32 to vector<16xi32>
    %scan3A = arith.constant 0 : i32
    %scan3A_6 = arith.constant 0 : i32
    %scan3A_7 = arith.constant 256 : i32
    %scan3A_8 = arith.addi %scan3A_6, %scan3A_7 : i32
    %scan3A_9 = arith.constant 1 : i32
    scf.for %scan3A_155 = %scan3A_6 to %scan3A_8 step %scan3A_9  : i32 {
      %mul3A_156 = arith.constant 16 : i32
      %mul3A_157 = arith.muli %scan3A_155, %mul3A_156 : i32
      %swap3A = arith.index_cast %mul3A_157 : i32 to index
      %swap3A_158 = tpu.vector_load %arg5[%swap3A] {strides = array<i32>} : memref<4096xi32, #tpu.memory_space<vmem>>, vector<16xi32>,
      tpu.vector_store %arg5[%swap3A], %broadcast_in_dim3A_5 {strides = array<i32>} : memref<4096xi32, #tpu.memory_space<vmem>>, vector<16xi32>,
      %mul3A_159 = arith.constant 16 : i32
      %mul3A_160 = arith.muli %scan3A_155, %mul3A_159 : i32
      %swap3A_161 = arith.index_cast %mul3A_160 : i32 to index
      %swap3A_162 = tpu.vector_load %arg6[%swap3A_161] {strides = array<i32>} : memref<4096xi32, #tpu.memory_space<vmem>>, vector<16xi32>,
      tpu.vector_store %arg6[%swap3A_161], %broadcast_in_dim3A_5 {strides = array<i32>} : memref<4096xi32, #tpu.memory_space<vmem>>, vector<16xi32>,
    }
    %scan3A_10 = arith.constant 256 : i32
    %iota3A = tpu.iota {dimensions = array<i32: 0>} : vector<16xi32>
    %lt3A = arith.constant 8 : i32
    %lt3A_11 = vector.broadcast %lt3A : i32 to vector<16xi32>
    %lt3A_12 = arith.cmpi slt, %iota3A, %lt3A_11 : vector<16xi32>
    %ge3A = arith.constant 8 : i32
    %ge3A_13 = vector.broadcast %ge3A : i32 to vector<16xi32>
    %ge3A_14 = arith.cmpi sge, %iota3A, %ge3A_13 : vector<16xi32>
    %mul3A_15 = arith.constant 512 : i32
    %mul3A_16 = vector.broadcast %mul3A_15 : i32 to vector<16xi32>
    %mul3A_17 = arith.muli %iota3A, %mul3A_16 : vector<16xi32>
    %sub3A = arith.constant 8 : i32
    %sub3A_18 = vector.broadcast %sub3A : i32 to vector<16xi32>
    %sub3A_19 = arith.subi %iota3A, %sub3A_18 : vector<16xi32>
    %mul3A_20 = arith.constant 512 : i32
    %mul3A_21 = vector.broadcast %mul3A_20 : i32 to vector<16xi32>
    %mul3A_22 = arith.muli %sub3A_19, %mul3A_21 : vector<16xi32>
    %get3A = arith.constant 0 : index
    %get3A_23 = tpu.vector_load %arg4[%get3A] {strides = array<i32>} : memref<512xi32, #tpu.memory_space<vmem>>, vector<16xi32>,
    %add3A_24 = arith.constant 0 : i32
    %add3A_25 = arith.addi %mul3A_2, %add3A_24 : i32
    %add3A_26 = arith.constant 0 : i32
    %add3A_27 = arith.addi %add3A_25, %add3A_26 : i32
    %jit3A = arith.constant 4 : i32
    %div3A = arith.divsi %add3A_27, %jit3A : i32
    %sign3A = arith.constant 0 : i32
    %sign3A_28 = arith.cmpi sgt, %add3A_27, %sign3A : i32
    %sign3A_29 = arith.extui %sign3A_28 : i1 to i32
    %sign3A_30 = arith.constant 0 : i32
    %sign3A_31 = arith.cmpi slt, %add3A_27, %sign3A_30 : i32
    %sign3A_32 = arith.extui %sign3A_31 : i1 to i32
    %sign3A_33 = arith.subi %sign3A_29, %sign3A_32 : i32
    %sign3A_34 = arith.constant 0 : i32
    %sign3A_35 = arith.cmpi sgt, %jit3A, %sign3A_34 : i32
    %sign3A_36 = arith.extui %sign3A_35 : i1 to i32
    %sign3A_37 = arith.constant 0 : i32
    %sign3A_38 = arith.cmpi slt, %jit3A, %sign3A_37 : i32
    %sign3A_39 = arith.extui %sign3A_38 : i1 to i32
    %sign3A_40 = arith.subi %sign3A_36, %sign3A_39 : i32
    %ne3A = arith.cmpi ne, %sign3A_33, %sign3A_40 : i32
    %rem3A = arith.remsi %add3A_27, %jit3A : i32
    %ne3A_41 = arith.constant 0 : i32
    %ne3A_42 = arith.cmpi ne, %rem3A, %ne3A_41 : i32
    %and3A = arith.andi %ne3A, %ne3A_42 : i1
    %sub3A_43 = arith.constant 1 : i32
    %sub3A_44 = arith.subi %div3A, %sub3A_43 : i32
    %select_n3A = arith.select %and3A, %sub3A_44, %div3A : i32
    %add3A_45 = vector.broadcast %select_n3A : i32 to vector<16xi32>
    %add3A_46 = arith.addi %mul3A_17, %add3A_45 : vector<16xi32>
    %jit3A_47 = arith.constant 4 : i32
    %eq3A = arith.constant 0 : i32
    %eq3A_48 = arith.cmpi eq, %jit3A_47, %eq3A : i32
    %jit3A_49 = arith.constant 1 : i32
    %select_n3A_50 = arith.select %eq3A_48, %jit3A_49, %jit3A_47 : i32
    %rem3A_51 = arith.remsi %add3A_27, %select_n3A_50 : i32
    %ne3A_52 = arith.constant 0 : i32
    %ne3A_53 = arith.cmpi ne, %rem3A_51, %ne3A_52 : i32
    %lt3A_54 = arith.constant 0 : i32
    %lt3A_55 = arith.cmpi slt, %rem3A_51, %lt3A_54 : i32
    %lt3A_56 = arith.constant 0 : i32
    %lt3A_57 = arith.cmpi slt, %select_n3A_50, %lt3A_56 : i32
    %ne3A_58 = arith.xori %lt3A_55, %lt3A_57 : i1
    %and3A_59 = arith.andi %ne3A_58, %ne3A_53 : i1
    %add3A_60 = arith.addi %rem3A_51, %select_n3A_50 : i32
    %select_n3A_61 = arith.select %and3A_59, %add3A_60, %rem3A_51 : i32
    %mul3A_62 = arith.constant 8 : i32
    %mul3A_63 = arith.muli %select_n3A_61, %mul3A_62 : i32
    %shift_left3A = vector.broadcast %mul3A_63 : i32 to vector<16xi32>
    %shift_left3A_64 = arith.shli %get3A_23, %shift_left3A : vector<16xi32>
    tpu.vector_store_idx %arg5[%add3A_46], %shift_left3A_64 masked %lt3A_12 : memref<4096xi32, #tpu.memory_space<vmem>>[vector<16xi32>], vector<16xi32>, vector<16xi1>
    %dma_start3A = arith.constant 0 : i32
    %dma_start3A_65 = tpu.memref_slice %arg3[%add3A_27, %dma_start3A] : memref<2048x4096xi32, #tpu.memory_space<hbm>> -> memref<1x4096xi32, #tpu.memory_space<hbm>>
    %dma_start3A_66 = tpu.memref_squeeze %dma_start3A_65 : memref<1x4096xi32, #tpu.memory_space<hbm>> -> memref<4096xi32, #tpu.memory_space<hbm>>
    %dma_start3A_67 = arith.constant 0 : i32
    %dma_start3A_68 = tpu.memref_slice %arg3[%add3A_27, %dma_start3A_67] : memref<2048x4096xi32, #tpu.memory_space<hbm>> -> memref<1x4096xi32, #tpu.memory_space<hbm>>
    %dma_start3A_69 = tpu.memref_squeeze %dma_start3A_68 : memref<1x4096xi32, #tpu.memory_space<hbm>> -> memref<4096xi32, #tpu.memory_space<hbm>>
    tpu.enqueue_dma source(%arg5 : memref<4096xi32, #tpu.memory_space<vmem>>) target(%dma_start3A_69 : memref<4096xi32, #tpu.memory_space<hbm>>) target_semaphore(%arg7 : memref<!tpu.dma_semaphore, #tpu.memory_space<semaphore_mem>>)
    %add3A_70 = arith.constant 0 : i32
    %add3A_71 = arith.addi %mul3A_2, %add3A_70 : i32
    %add3A_72 = arith.constant 1 : i32
    %add3A_73 = arith.addi %add3A_71, %add3A_72 : i32
    %jit3A_74 = arith.constant 4 : i32
    %div3A_75 = arith.divsi %add3A_73, %jit3A_74 : i32
    %sign3A_76 = arith.constant 0 : i32
    %sign3A_77 = arith.cmpi sgt, %add3A_73, %sign3A_76 : i32
    %sign3A_78 = arith.extui %sign3A_77 : i1 to i32
    %sign3A_79 = arith.constant 0 : i32
    %sign3A_80 = arith.cmpi slt, %add3A_73, %sign3A_79 : i32
    %sign3A_81 = arith.extui %sign3A_80 : i1 to i32
    %sign3A_82 = arith.subi %sign3A_78, %sign3A_81 : i32
    %sign3A_83 = arith.constant 0 : i32
    %sign3A_84 = arith.cmpi sgt, %jit3A_74, %sign3A_83 : i32
    %sign3A_85 = arith.extui %sign3A_84 : i1 to i32
    %sign3A_86 = arith.constant 0 : i32
    %sign3A_87 = arith.cmpi slt, %jit3A_74, %sign3A_86 : i32
    %sign3A_88 = arith.extui %sign3A_87 : i1 to i32
    %sign3A_89 = arith.subi %sign3A_85, %sign3A_88 : i32
    %ne3A_90 = arith.cmpi ne, %sign3A_82, %sign3A_89 : i32
    %rem3A_91 = arith.remsi %add3A_73, %jit3A_74 : i32
    %ne3A_92 = arith.constant 0 : i32
    %ne3A_93 = arith.cmpi ne, %rem3A_91, %ne3A_92 : i32
    %and3A_94 = arith.andi %ne3A_90, %ne3A_93 : i1
    %sub3A_95 = arith.constant 1 : i32
    %sub3A_96 = arith.subi %div3A_75, %sub3A_95 : i32
    %select_n3A_97 = arith.select %and3A_94, %sub3A_96, %div3A_75 : i32
    %add3A_98 = vector.broadcast %select_n3A_97 : i32 to vector<16xi32>
    %add3A_99 = arith.addi %mul3A_22, %add3A_98 : vector<16xi32>
    %jit3A_100 = arith.constant 4 : i32
    %eq3A_101 = arith.constant 0 : i32
    %eq3A_102 = arith.cmpi eq, %jit3A_100, %eq3A_101 : i32
    %jit3A_103 = arith.constant 1 : i32
    %select_n3A_104 = arith.select %eq3A_102, %jit3A_103, %jit3A_100 : i32
    %rem3A_105 = arith.remsi %add3A_73, %select_n3A_104 : i32
    %ne3A_106 = arith.constant 0 : i32
    %ne3A_107 = arith.cmpi ne, %rem3A_105, %ne3A_106 : i32
    %lt3A_108 = arith.constant 0 : i32
    %lt3A_109 = arith.cmpi slt, %rem3A_105, %lt3A_108 : i32
    %lt3A_110 = arith.constant 0 : i32
    %lt3A_111 = arith.cmpi slt, %select_n3A_104, %lt3A_110 : i32
    %ne3A_112 = arith.xori %lt3A_109, %lt3A_111 : i1
    %and3A_113 = arith.andi %ne3A_112, %ne3A_107 : i1
    %add3A_114 = arith.addi %rem3A_105, %select_n3A_104 : i32
    %select_n3A_115 = arith.select %and3A_113, %add3A_114, %rem3A_105 : i32
    %mul3A_116 = arith.constant 8 : i32
    %mul3A_117 = arith.muli %select_n3A_115, %mul3A_116 : i32
    %shift_left3A_118 = vector.broadcast %mul3A_117 : i32 to vector<16xi32>
    %shift_left3A_119 = arith.shli %get3A_23, %shift_left3A_118 : vector<16xi32>
    tpu.vector_store_idx %arg6[%add3A_99], %shift_left3A_119 masked %ge3A_14 : memref<4096xi32, #tpu.memory_space<vmem>>[vector<16xi32>], vector<16xi32>, vector<16xi1>
    %dma_start3A_120 = arith.constant 0 : i32
    %dma_start3A_121 = tpu.memref_slice %arg3[%add3A_73, %dma_start3A_120] : memref<2048x4096xi32, #tpu.memory_space<hbm>> -> memref<1x4096xi32, #tpu.memory_space<hbm>>
    %dma_start3A_122 = tpu.memref_squeeze %dma_start3A_121 : memref<1x4096xi32, #tpu.memory_space<hbm>> -> memref<4096xi32, #tpu.memory_space<hbm>>
    %dma_start3A_123 = arith.constant 0 : i32
    %dma_start3A_124 = tpu.memref_slice %arg3[%add3A_73, %dma_start3A_123] : memref<2048x4096xi32, #tpu.memory_space<hbm>> -> memref<1x4096xi32, #tpu.memory_space<hbm>>
    %dma_start3A_125 = tpu.memref_squeeze %dma_start3A_124 : memref<1x4096xi32, #tpu.memory_space<hbm>> -> memref<4096xi32, #tpu.memory_space<hbm>>
    tpu.enqueue_dma source(%arg6 : memref<4096xi32, #tpu.memory_space<vmem>>) target(%dma_start3A_125 : memref<4096xi32, #tpu.memory_space<hbm>>) target_semaphore(%arg8 : memref<!tpu.dma_semaphore, #tpu.memory_space<semaphore_mem>>)
    %scan3A_126 = arith.constant 0 : i32
    %scan3A_127 = arith.constant 1 : i32
    %scan3A_128 = arith.constant 31 : i32
    %scan3A_129 = arith.addi %scan3A_127, %scan3A_128 : i32
    %scan3A_130 = arith.constant 1 : i32
    scf.for %scan3A_155 = %scan3A_127 to %scan3A_129 step %scan3A_130  : i32 {
      %sub3A_156 = arith.constant 1 : i32
      %sub3A_157 = arith.subi %scan3A_155, %sub3A_156 : i32
      %mul3A_158 = arith.constant 2 : i32
      %mul3A_159 = arith.muli %sub3A_157, %mul3A_158 : i32
      %add3A_160 = arith.addi %mul3A_2, %mul3A_159 : i32
      %add3A_161 = arith.constant 0 : i32
      %add3A_162 = arith.addi %add3A_160, %add3A_161 : i32
      %dma_wait3A_163 = arith.constant 0 : i32
      %dma_wait3A_164 = tpu.memref_slice %arg3[%add3A_162, %dma_wait3A_163] : memref<2048x4096xi32, #tpu.memory_space<hbm>> -> memref<1x4096xi32, #tpu.memory_space<hbm>>
      %dma_wait3A_165 = tpu.memref_squeeze %dma_wait3A_164 : memref<1x4096xi32, #tpu.memory_space<hbm>> -> memref<4096xi32, #tpu.memory_space<hbm>>
      %dma_wait3A_166 = arith.constant 0 : i32
      %dma_wait3A_167 = tpu.memref_slice %arg3[%add3A_162, %dma_wait3A_166] : memref<2048x4096xi32, #tpu.memory_space<hbm>> -> memref<1x4096xi32, #tpu.memory_space<hbm>>
      %dma_wait3A_168 = tpu.memref_squeeze %dma_wait3A_167 : memref<1x4096xi32, #tpu.memory_space<hbm>> -> memref<4096xi32, #tpu.memory_space<hbm>>
      tpu.wait_dma2 semaphore(%arg7 : memref<!tpu.dma_semaphore, #tpu.memory_space<semaphore_mem>>) src(%arg5 : memref<4096xi32, #tpu.memory_space<vmem>>) dst(%dma_wait3A_168 : memref<4096xi32, #tpu.memory_space<hbm>>)
      %jit3A_169 = arith.constant 4 : i32
      %div3A_170 = arith.divsi %add3A_162, %jit3A_169 : i32
      %sign3A_171 = arith.constant 0 : i32
      %sign3A_172 = arith.cmpi sgt, %add3A_162, %sign3A_171 : i32
      %sign3A_173 = arith.extui %sign3A_172 : i1 to i32
      %sign3A_174 = arith.constant 0 : i32
      %sign3A_175 = arith.cmpi slt, %add3A_162, %sign3A_174 : i32
      %sign3A_176 = arith.extui %sign3A_175 : i1 to i32
      %sign3A_177 = arith.subi %sign3A_173, %sign3A_176 : i32
      %sign3A_178 = arith.constant 0 : i32
      %sign3A_179 = arith.cmpi sgt, %jit3A_169, %sign3A_178 : i32
      %sign3A_180 = arith.extui %sign3A_179 : i1 to i32
      %sign3A_181 = arith.constant 0 : i32
      %sign3A_182 = arith.cmpi slt, %jit3A_169, %sign3A_181 : i32
      %sign3A_183 = arith.extui %sign3A_182 : i1 to i32
      %sign3A_184 = arith.subi %sign3A_180, %sign3A_183 : i32
      %ne3A_185 = arith.cmpi ne, %sign3A_177, %sign3A_184 : i32
      %rem3A_186 = arith.remsi %add3A_162, %jit3A_169 : i32
      %ne3A_187 = arith.constant 0 : i32
      %ne3A_188 = arith.cmpi ne, %rem3A_186, %ne3A_187 : i32
      %and3A_189 = arith.andi %ne3A_185, %ne3A_188 : i1
      %sub3A_190 = arith.constant 1 : i32
      %sub3A_191 = arith.subi %div3A_170, %sub3A_190 : i32
      %select_n3A_192 = arith.select %and3A_189, %sub3A_191, %div3A_170 : i32
      %add3A_193 = vector.broadcast %select_n3A_192 : i32 to vector<16xi32>
      %add3A_194 = arith.addi %mul3A_17, %add3A_193 : vector<16xi32>
      tpu.vector_store_idx %arg5[%add3A_194], %broadcast_in_dim3A_5 masked %lt3A_12 : memref<4096xi32, #tpu.memory_space<vmem>>[vector<16xi32>], vector<16xi32>, vector<16xi1>
      %sub3A_195 = arith.constant 1 : i32
      %sub3A_196 = arith.subi %scan3A_155, %sub3A_195 : i32
      %mul3A_197 = arith.constant 2 : i32
      %mul3A_198 = arith.muli %sub3A_196, %mul3A_197 : i32
      %add3A_199 = arith.addi %mul3A_2, %mul3A_198 : i32
      %add3A_200 = arith.constant 1 : i32
      %add3A_201 = arith.addi %add3A_199, %add3A_200 : i32
      %dma_wait3A_202 = arith.constant 0 : i32
      %dma_wait3A_203 = tpu.memref_slice %arg3[%add3A_201, %dma_wait3A_202] : memref<2048x4096xi32, #tpu.memory_space<hbm>> -> memref<1x4096xi32, #tpu.memory_space<hbm>>
      %dma_wait3A_204 = tpu.memref_squeeze %dma_wait3A_203 : memref<1x4096xi32, #tpu.memory_space<hbm>> -> memref<4096xi32, #tpu.memory_space<hbm>>
      %dma_wait3A_205 = arith.constant 0 : i32
      %dma_wait3A_206 = tpu.memref_slice %arg3[%add3A_201, %dma_wait3A_205] : memref<2048x4096xi32, #tpu.memory_space<hbm>> -> memref<1x4096xi32, #tpu.memory_space<hbm>>
      %dma_wait3A_207 = tpu.memref_squeeze %dma_wait3A_206 : memref<1x4096xi32, #tpu.memory_space<hbm>> -> memref<4096xi32, #tpu.memory_space<hbm>>
      tpu.wait_dma2 semaphore(%arg8 : memref<!tpu.dma_semaphore, #tpu.memory_space<semaphore_mem>>) src(%arg6 : memref<4096xi32, #tpu.memory_space<vmem>>) dst(%dma_wait3A_207 : memref<4096xi32, #tpu.memory_space<hbm>>)
      %jit3A_208 = arith.constant 4 : i32
      %div3A_209 = arith.divsi %add3A_201, %jit3A_208 : i32
      %sign3A_210 = arith.constant 0 : i32
      %sign3A_211 = arith.cmpi sgt, %add3A_201, %sign3A_210 : i32
      %sign3A_212 = arith.extui %sign3A_211 : i1 to i32
      %sign3A_213 = arith.constant 0 : i32
      %sign3A_214 = arith.cmpi slt, %add3A_201, %sign3A_213 : i32
      %sign3A_215 = arith.extui %sign3A_214 : i1 to i32
      %sign3A_216 = arith.subi %sign3A_212, %sign3A_215 : i32
      %sign3A_217 = arith.constant 0 : i32
      %sign3A_218 = arith.cmpi sgt, %jit3A_208, %sign3A_217 : i32
      %sign3A_219 = arith.extui %sign3A_218 : i1 to i32
      %sign3A_220 = arith.constant 0 : i32
      %sign3A_221 = arith.cmpi slt, %jit3A_208, %sign3A_220 : i32
      %sign3A_222 = arith.extui %sign3A_221 : i1 to i32
      %sign3A_223 = arith.subi %sign3A_219, %sign3A_222 : i32
      %ne3A_224 = arith.cmpi ne, %sign3A_216, %sign3A_223 : i32
      %rem3A_225 = arith.remsi %add3A_201, %jit3A_208 : i32
      %ne3A_226 = arith.constant 0 : i32
      %ne3A_227 = arith.cmpi ne, %rem3A_225, %ne3A_226 : i32
      %and3A_228 = arith.andi %ne3A_224, %ne3A_227 : i1
      %sub3A_229 = arith.constant 1 : i32
      %sub3A_230 = arith.subi %div3A_209, %sub3A_229 : i32
      %select_n3A_231 = arith.select %and3A_228, %sub3A_230, %div3A_209 : i32
      %add3A_232 = vector.broadcast %select_n3A_231 : i32 to vector<16xi32>
      %add3A_233 = arith.addi %mul3A_22, %add3A_232 : vector<16xi32>
      tpu.vector_store_idx %arg6[%add3A_233], %broadcast_in_dim3A_5 masked %ge3A_14 : memref<4096xi32, #tpu.memory_space<vmem>>[vector<16xi32>], vector<16xi32>, vector<16xi1>
      %mul3A_234 = arith.constant 16 : i32
      %mul3A_235 = arith.muli %scan3A_155, %mul3A_234 : i32
      %get3A_236 = arith.index_cast %mul3A_235 : i32 to index
      %get3A_237 = tpu.vector_load %arg4[%get3A_236] {strides = array<i32>} : memref<512xi32, #tpu.memory_space<vmem>>, vector<16xi32>,
      %mul3A_238 = arith.constant 2 : i32
      %mul3A_239 = arith.muli %scan3A_155, %mul3A_238 : i32
      %add3A_240 = arith.addi %mul3A_2, %mul3A_239 : i32
      %add3A_241 = arith.constant 0 : i32
      %add3A_242 = arith.addi %add3A_240, %add3A_241 : i32
      %jit3A_243 = arith.constant 4 : i32
      %div3A_244 = arith.divsi %add3A_242, %jit3A_243 : i32
      %sign3A_245 = arith.constant 0 : i32
      %sign3A_246 = arith.cmpi sgt, %add3A_242, %sign3A_245 : i32
      %sign3A_247 = arith.extui %sign3A_246 : i1 to i32
      %sign3A_248 = arith.constant 0 : i32
      %sign3A_249 = arith.cmpi slt, %add3A_242, %sign3A_248 : i32
      %sign3A_250 = arith.extui %sign3A_249 : i1 to i32
      %sign3A_251 = arith.subi %sign3A_247, %sign3A_250 : i32
      %sign3A_252 = arith.constant 0 : i32
      %sign3A_253 = arith.cmpi sgt, %jit3A_243, %sign3A_252 : i32
      %sign3A_254 = arith.extui %sign3A_253 : i1 to i32
      %sign3A_255 = arith.constant 0 : i32
      %sign3A_256 = arith.cmpi slt, %jit3A_243, %sign3A_255 : i32
      %sign3A_257 = arith.extui %sign3A_256 : i1 to i32
      %sign3A_258 = arith.subi %sign3A_254, %sign3A_257 : i32
      %ne3A_259 = arith.cmpi ne, %sign3A_251, %sign3A_258 : i32
      %rem3A_260 = arith.remsi %add3A_242, %jit3A_243 : i32
      %ne3A_261 = arith.constant 0 : i32
      %ne3A_262 = arith.cmpi ne, %rem3A_260, %ne3A_261 : i32
      %and3A_263 = arith.andi %ne3A_259, %ne3A_262 : i1
      %sub3A_264 = arith.constant 1 : i32
      %sub3A_265 = arith.subi %div3A_244, %sub3A_264 : i32
      %select_n3A_266 = arith.select %and3A_263, %sub3A_265, %div3A_244 : i32
      %add3A_267 = vector.broadcast %select_n3A_266 : i32 to vector<16xi32>
      %add3A_268 = arith.addi %mul3A_17, %add3A_267 : vector<16xi32>
      %jit3A_269 = arith.constant 4 : i32
      %eq3A_270 = arith.constant 0 : i32
      %eq3A_271 = arith.cmpi eq, %jit3A_269, %eq3A_270 : i32
      %jit3A_272 = arith.constant 1 : i32
      %select_n3A_273 = arith.select %eq3A_271, %jit3A_272, %jit3A_269 : i32
      %rem3A_274 = arith.remsi %add3A_242, %select_n3A_273 : i32
      %ne3A_275 = arith.constant 0 : i32
      %ne3A_276 = arith.cmpi ne, %rem3A_274, %ne3A_275 : i32
      %lt3A_277 = arith.constant 0 : i32
      %lt3A_278 = arith.cmpi slt, %rem3A_274, %lt3A_277 : i32
      %lt3A_279 = arith.constant 0 : i32
      %lt3A_280 = arith.cmpi slt, %select_n3A_273, %lt3A_279 : i32
      %ne3A_281 = arith.xori %lt3A_278, %lt3A_280 : i1
      %and3A_282 = arith.andi %ne3A_281, %ne3A_276 : i1
      %add3A_283 = arith.addi %rem3A_274, %select_n3A_273 : i32
      %select_n3A_284 = arith.select %and3A_282, %add3A_283, %rem3A_274 : i32
      %mul3A_285 = arith.constant 8 : i32
      %mul3A_286 = arith.muli %select_n3A_284, %mul3A_285 : i32
      %shift_left3A_287 = vector.broadcast %mul3A_286 : i32 to vector<16xi32>
      %shift_left3A_288 = arith.shli %get3A_237, %shift_left3A_287 : vector<16xi32>
      tpu.vector_store_idx %arg5[%add3A_268], %shift_left3A_288 masked %lt3A_12 : memref<4096xi32, #tpu.memory_space<vmem>>[vector<16xi32>], vector<16xi32>, vector<16xi1>
      %dma_start3A_289 = arith.constant 0 : i32
      %dma_start3A_290 = tpu.memref_slice %arg3[%add3A_242, %dma_start3A_289] : memref<2048x4096xi32, #tpu.memory_space<hbm>> -> memref<1x4096xi32, #tpu.memory_space<hbm>>
      %dma_start3A_291 = tpu.memref_squeeze %dma_start3A_290 : memref<1x4096xi32, #tpu.memory_space<hbm>> -> memref<4096xi32, #tpu.memory_space<hbm>>
      %dma_start3A_292 = arith.constant 0 : i32
      %dma_start3A_293 = tpu.memref_slice %arg3[%add3A_242, %dma_start3A_292] : memref<2048x4096xi32, #tpu.memory_space<hbm>> -> memref<1x4096xi32, #tpu.memory_space<hbm>>
      %dma_start3A_294 = tpu.memref_squeeze %dma_start3A_293 : memref<1x4096xi32, #tpu.memory_space<hbm>> -> memref<4096xi32, #tpu.memory_space<hbm>>
      tpu.enqueue_dma source(%arg5 : memref<4096xi32, #tpu.memory_space<vmem>>) target(%dma_start3A_294 : memref<4096xi32, #tpu.memory_space<hbm>>) target_semaphore(%arg7 : memref<!tpu.dma_semaphore, #tpu.memory_space<semaphore_mem>>)
      %mul3A_295 = arith.constant 2 : i32
      %mul3A_296 = arith.muli %scan3A_155, %mul3A_295 : i32
      %add3A_297 = arith.addi %mul3A_2, %mul3A_296 : i32
      %add3A_298 = arith.constant 1 : i32
      %add3A_299 = arith.addi %add3A_297, %add3A_298 : i32
      %jit3A_300 = arith.constant 4 : i32
      %div3A_301 = arith.divsi %add3A_299, %jit3A_300 : i32
      %sign3A_302 = arith.constant 0 : i32
      %sign3A_303 = arith.cmpi sgt, %add3A_299, %sign3A_302 : i32
      %sign3A_304 = arith.extui %sign3A_303 : i1 to i32
      %sign3A_305 = arith.constant 0 : i32
      %sign3A_306 = arith.cmpi slt, %add3A_299, %sign3A_305 : i32
      %sign3A_307 = arith.extui %sign3A_306 : i1 to i32
      %sign3A_308 = arith.subi %sign3A_304, %sign3A_307 : i32
      %sign3A_309 = arith.constant 0 : i32
      %sign3A_310 = arith.cmpi sgt, %jit3A_300, %sign3A_309 : i32
      %sign3A_311 = arith.extui %sign3A_310 : i1 to i32
      %sign3A_312 = arith.constant 0 : i32
      %sign3A_313 = arith.cmpi slt, %jit3A_300, %sign3A_312 : i32
      %sign3A_314 = arith.extui %sign3A_313 : i1 to i32
      %sign3A_315 = arith.subi %sign3A_311, %sign3A_314 : i32
      %ne3A_316 = arith.cmpi ne, %sign3A_308, %sign3A_315 : i32
      %rem3A_317 = arith.remsi %add3A_299, %jit3A_300 : i32
      %ne3A_318 = arith.constant 0 : i32
      %ne3A_319 = arith.cmpi ne, %rem3A_317, %ne3A_318 : i32
      %and3A_320 = arith.andi %ne3A_316, %ne3A_319 : i1
      %sub3A_321 = arith.constant 1 : i32
      %sub3A_322 = arith.subi %div3A_301, %sub3A_321 : i32
      %select_n3A_323 = arith.select %and3A_320, %sub3A_322, %div3A_301 : i32
      %add3A_324 = vector.broadcast %select_n3A_323 : i32 to vector<16xi32>
      %add3A_325 = arith.addi %mul3A_22, %add3A_324 : vector<16xi32>
      %jit3A_326 = arith.constant 4 : i32
      %eq3A_327 = arith.constant 0 : i32
      %eq3A_328 = arith.cmpi eq, %jit3A_326, %eq3A_327 : i32
      %jit3A_329 = arith.constant 1 : i32
      %select_n3A_330 = arith.select %eq3A_328, %jit3A_329, %jit3A_326 : i32
      %rem3A_331 = arith.remsi %add3A_299, %select_n3A_330 : i32
      %ne3A_332 = arith.constant 0 : i32
      %ne3A_333 = arith.cmpi ne, %rem3A_331, %ne3A_332 : i32
      %lt3A_334 = arith.constant 0 : i32
      %lt3A_335 = arith.cmpi slt, %rem3A_331, %lt3A_334 : i32
      %lt3A_336 = arith.constant 0 : i32
      %lt3A_337 = arith.cmpi slt, %select_n3A_330, %lt3A_336 : i32
      %ne3A_338 = arith.xori %lt3A_335, %lt3A_337 : i1
      %and3A_339 = arith.andi %ne3A_338, %ne3A_333 : i1
      %add3A_340 = arith.addi %rem3A_331, %select_n3A_330 : i32
      %select_n3A_341 = arith.select %and3A_339, %add3A_340, %rem3A_331 : i32
      %mul3A_342 = arith.constant 8 : i32
      %mul3A_343 = arith.muli %select_n3A_341, %mul3A_342 : i32
      %shift_left3A_344 = vector.broadcast %mul3A_343 : i32 to vector<16xi32>
      %shift_left3A_345 = arith.shli %get3A_237, %shift_left3A_344 : vector<16xi32>
      tpu.vector_store_idx %arg6[%add3A_325], %shift_left3A_345 masked %ge3A_14 : memref<4096xi32, #tpu.memory_space<vmem>>[vector<16xi32>], vector<16xi32>, vector<16xi1>
      %dma_start3A_346 = arith.constant 0 : i32
      %dma_start3A_347 = tpu.memref_slice %arg3[%add3A_299, %dma_start3A_346] : memref<2048x4096xi32, #tpu.memory_space<hbm>> -> memref<1x4096xi32, #tpu.memory_space<hbm>>
      %dma_start3A_348 = tpu.memref_squeeze %dma_start3A_347 : memref<1x4096xi32, #tpu.memory_space<hbm>> -> memref<4096xi32, #tpu.memory_space<hbm>>
      %dma_start3A_349 = arith.constant 0 : i32
      %dma_start3A_350 = tpu.memref_slice %arg3[%add3A_299, %dma_start3A_349] : memref<2048x4096xi32, #tpu.memory_space<hbm>> -> memref<1x4096xi32, #tpu.memory_space<hbm>>
      %dma_start3A_351 = tpu.memref_squeeze %dma_start3A_350 : memref<1x4096xi32, #tpu.memory_space<hbm>> -> memref<4096xi32, #tpu.memory_space<hbm>>
      tpu.enqueue_dma source(%arg6 : memref<4096xi32, #tpu.memory_space<vmem>>) target(%dma_start3A_351 : memref<4096xi32, #tpu.memory_space<hbm>>) target_semaphore(%arg8 : memref<!tpu.dma_semaphore, #tpu.memory_space<semaphore_mem>>)
    }
    %scan3A_131 = arith.constant 31 : i32
    %add3A_132 = arith.constant 64 : i32
    %add3A_133 = arith.addi %mul3A_2, %add3A_132 : i32
    %sub3A_134 = arith.constant 2 : i32
    %sub3A_135 = arith.subi %add3A_133, %sub3A_134 : i32
    %add3A_136 = arith.constant 0 : i32
    %add3A_137 = arith.addi %sub3A_135, %add3A_136 : i32
    %dma_wait3A = arith.constant 0 : i32
    %dma_wait3A_138 = tpu.memref_slice %arg3[%add3A_137, %dma_wait3A] : memref<2048x4096xi32, #tpu.memory_space<hbm>> -> memref<1x4096xi32, #tpu.memory_space<hbm>>
    %dma_wait3A_139 = tpu.memref_squeeze %dma_wait3A_138 : memref<1x4096xi32, #tpu.memory_space<hbm>> -> memref<4096xi32, #tpu.memory_space<hbm>>
    %dma_wait3A_140 = arith.constant 0 : i32
    %dma_wait3A_141 = tpu.memref_slice %arg3[%add3A_137, %dma_wait3A_140] : memref<2048x4096xi32, #tpu.memory_space<hbm>> -> memref<1x4096xi32, #tpu.memory_space<hbm>>
    %dma_wait3A_142 = tpu.memref_squeeze %dma_wait3A_141 : memref<1x4096xi32, #tpu.memory_space<hbm>> -> memref<4096xi32, #tpu.memory_space<hbm>>
    tpu.wait_dma2 semaphore(%arg7 : memref<!tpu.dma_semaphore, #tpu.memory_space<semaphore_mem>>) src(%arg5 : memref<4096xi32, #tpu.memory_space<vmem>>) dst(%dma_wait3A_142 : memref<4096xi32, #tpu.memory_space<hbm>>)
    %add3A_143 = arith.constant 64 : i32
    %add3A_144 = arith.addi %mul3A_2, %add3A_143 : i32
    %sub3A_145 = arith.constant 2 : i32
    %sub3A_146 = arith.subi %add3A_144, %sub3A_145 : i32
    %add3A_147 = arith.constant 1 : i32
    %add3A_148 = arith.addi %sub3A_146, %add3A_147 : i32
    %dma_wait3A_149 = arith.constant 0 : i32
    %dma_wait3A_150 = tpu.memref_slice %arg3[%add3A_148, %dma_wait3A_149] : memref<2048x4096xi32, #tpu.memory_space<hbm>> -> memref<1x4096xi32, #tpu.memory_space<hbm>>
    %dma_wait3A_151 = tpu.memref_squeeze %dma_wait3A_150 : memref<1x4096xi32, #tpu.memory_space<hbm>> -> memref<4096xi32, #tpu.memory_space<hbm>>
    %dma_wait3A_152 = arith.constant 0 : i32
    %dma_wait3A_153 = tpu.memref_slice %arg3[%add3A_148, %dma_wait3A_152] : memref<2048x4096xi32, #tpu.memory_space<hbm>> -> memref<1x4096xi32, #tpu.memory_space<hbm>>
    %dma_wait3A_154 = tpu.memref_squeeze %dma_wait3A_153 : memref<1x4096xi32, #tpu.memory_space<hbm>> -> memref<4096xi32, #tpu.memory_space<hbm>>
    tpu.wait_dma2 semaphore(%arg8 : memref<!tpu.dma_semaphore, #tpu.memory_space<semaphore_mem>>) src(%arg6 : memref<4096xi32, #tpu.memory_space<vmem>>) dst(%dma_wait3A_154 : memref<4096xi32, #tpu.memory_space<hbm>>)
    return
  }
}

module attributes {stable_mosaic.version = 14 : i64} {
  func.func @_tc_body(%arg0: i32, %arg1: memref<128x2048xf32, #tpu.memory_space<vmem>>, %arg2: memref<8x2048xf32, #tpu.memory_space<vmem>>, %arg3: memref<128x8x2048xf32, #tpu.memory_space<vmem>>, %arg4: memref<128x8xi32, #tpu.memory_space<vmem>>, %arg5: memref<1x1xf32, #tpu.memory_space<smem>>) attributes {dimension_semantics = [#tpu.dimension_semantics<arbitrary>], iteration_bounds = array<i64: 16>, scalar_prefetch = 0 : i64, scratch_operands = 0 : i64, tpu.core_type = #tpu.core_type<tc>, window_params = [{transform_indices = @transform_0, window_bounds = array<i64: 128, 2048>}, {pipeline_mode = #tpu.pipeline_mode<synchronous>, transform_indices = @transform_1, window_bounds = array<i64: 8, 2048>}, {transform_indices = @transform_2, window_bounds = array<i64: 128, 8, 2048>}, {transform_indices = @transform_3, window_bounds = array<i64: 128, 8>}, {transform_indices = @transform_4, window_bounds = array<i64: 1, 1>}]} {
    %get3A = arith.constant 0 : index
    %get3A_0 = arith.constant 0 : index
    %get3A_1 = vector.load %arg1[%get3A, %get3A_0] : memref<128x2048xf32, #tpu.memory_space<vmem>>, vector<128x2048xf32>
    %get3A_2 = arith.constant 0 : index
    %get3A_3 = arith.constant 0 : index
    %get3A_4 = vector.load %arg2[%get3A_2, %get3A_3] : memref<8x2048xf32, #tpu.memory_space<vmem>>, vector<8x2048xf32>
    %dot_general3A = arith.constant dense<0.000000e+00> : vector<128x8xf32>
    %dot_general3A_5 = tpu.matmul %get3A_1, %get3A_4, %dot_general3A {dimension_numbers = #tpu.dot_dimension_numbers<[1], [1], [0], [0], [0, 0, 1, 0], [], []>, transpose_lhs_hint = false} : vector<128x2048xf32>, vector<8x2048xf32>, vector<128x8xf32> -> vector<128x8xf32>
    %reduce_max3A = arith.constant dense<0xFF800000> : vector<128xf32>
    %reduce_max3A_6 = vector.multi_reduction <maximumf>, %dot_general3A_5, %reduce_max3A [1] : vector<128x8xf32> to vector<128xf32>
    %broadcast_in_dim3A = vector.shape_cast %reduce_max3A_6 : vector<128xf32> to vector<128x1xf32>
    %sub3A = vector.broadcast %broadcast_in_dim3A : vector<128x1xf32> to vector<128x8xf32>
    %sub3A_7 = arith.subf %dot_general3A_5, %sub3A : vector<128x8xf32>
    %exp3A = math.exp %sub3A_7 : vector<128x8xf32>
    %reduce_sum3A = arith.constant dense<0.000000e+00> : vector<128xf32>
    %reduce_sum3A_8 = vector.multi_reduction <add>, %exp3A, %reduce_sum3A [1] : vector<128x8xf32> to vector<128xf32>
    %broadcast_in_dim3A_9 = vector.shape_cast %reduce_sum3A_8 : vector<128xf32> to vector<128x1xf32>
    %div3A = vector.broadcast %broadcast_in_dim3A_9 : vector<128x1xf32> to vector<128x8xf32>
    %div3A_10 = arith.divf %exp3A, %div3A : vector<128x8xf32>
    %jit3A = arith.constant 9.99999971E-10 : f32
    %jit3A_11 = arith.constant 1.000000e+00 : f32
    %max3A = vector.broadcast %jit3A : f32 to vector<128x8xf32>
    %max3A_12 = arith.maximumf %max3A, %div3A_10 : vector<128x8xf32>
    %min3A = vector.broadcast %jit3A_11 : f32 to vector<128x8xf32>
    %min3A_13 = arith.minimumf %min3A, %max3A_12 : vector<128x8xf32>
    %log3A = math.log %min3A_13 : vector<128x8xf32>
    %mul3A = arith.mulf %div3A_10, %log3A : vector<128x8xf32>
    %reduce_sum3A_14 = vector.shape_cast %mul3A : vector<128x8xf32> to vector<1x128x8xf32>
    %reduce_sum3A_15 = arith.constant dense<0.000000e+00> : vector<1xf32>
    %reduce_sum3A_16 = vector.multi_reduction <add>, %reduce_sum3A_14, %reduce_sum3A_15 [1, 2] : vector<1x128x8xf32> to vector<1xf32>
    %reduce_sum3A_17 = vector.shape_cast %reduce_sum3A_16 : vector<1xf32> to vector<1x1x1xf32>
    %reduce_sum3A_18 = vector.extract %reduce_sum3A_17[0, 0, 0] : f32 from vector<1x1x1xf32>
    %neg3A = arith.constant 0.000000e+00 : f32
    %neg3A_19 = arith.subf %neg3A, %reduce_sum3A_18 : f32
    %mul3A_20 = arith.constant 4.8828125E-4 : f32
    %mul3A_21 = arith.mulf %neg3A_19, %mul3A_20 : f32
    %eq3A = arith.constant 0 : i32
    %eq3A_22 = arith.cmpi eq, %arg0, %eq3A : i32
    %convert_element_type3A = arith.extui %eq3A_22 : i1 to i32
    %cond3A = arith.constant 0 : i32
    %cond3A_23 = arith.cmpi ne, %convert_element_type3A, %cond3A : i32
    scf.if %cond3A_23 {
      %swap3A_50 = arith.constant 0.000000e+00 : f32
      %swap3A_51 = arith.constant 0 : index
      %swap3A_52 = arith.constant 0 : index
      %swap3A_53 = memref.load %arg5[%swap3A_51, %swap3A_52] : memref<1x1xf32, #tpu.memory_space<smem>>
      memref.store %swap3A_50, %arg5[%swap3A_51, %swap3A_52] : memref<1x1xf32, #tpu.memory_space<smem>>
    } else {
    }
    %get3A_24 = arith.constant 0 : index
    %get3A_25 = arith.constant 0 : index
    %get3A_26 = memref.load %arg5[%get3A_24, %get3A_25] : memref<1x1xf32, #tpu.memory_space<smem>>
    %add3A = arith.addf %get3A_26, %mul3A_21 : f32
    %swap3A = arith.constant 0 : index
    %swap3A_27 = arith.constant 0 : index
    %swap3A_28 = memref.load %arg5[%swap3A, %swap3A_27] : memref<1x1xf32, #tpu.memory_space<smem>>
    memref.store %add3A, %arg5[%swap3A, %swap3A_27] : memref<1x1xf32, #tpu.memory_space<smem>>
    %iota3A = tpu.iota {dimensions = array<i32: 0>} : vector<128x8x2048xi32>
    %iota3A_29 = tpu.iota {dimensions = array<i32: 2>} : vector<128x8x2048xi32>
    %mul3A_30 = arith.constant 128 : i32
    %mul3A_31 = arith.muli %arg0, %mul3A_30 : i32
    %add3A_32 = vector.broadcast %mul3A_31 : i32 to vector<128x8x2048xi32>
    %add3A_33 = arith.addi %iota3A, %add3A_32 : vector<128x8x2048xi32>
    %eq3A_34 = arith.cmpi eq, %add3A_33, %iota3A_29 : vector<128x8x2048xi32>
    %broadcast_in_dim3A_35 = vector.shape_cast %div3A_10 : vector<128x8xf32> to vector<128x8x1xf32>
    %jit3A_36 = arith.constant 0.000000e+00 : f32
    %broadcast_in_dim3A_37 = vector.shape_cast %broadcast_in_dim3A_35 : vector<128x8x1xf32> to vector<128x8x1xf32>
    %broadcast_in_dim3A_38 = vector.broadcast %broadcast_in_dim3A_37 : vector<128x8x1xf32> to vector<128x8x2048xf32>
    %broadcast_in_dim3A_39 = vector.broadcast %jit3A_36 : f32 to vector<128x8x2048xf32>
    %select_n3A = arith.select %eq3A_34, %broadcast_in_dim3A_38, %broadcast_in_dim3A_39 : vector<128x8x2048xi1>, vector<128x8x2048xf32>
    %swap3A_40 = arith.constant 0 : index
    %swap3A_41 = arith.constant 0 : index
    %swap3A_42 = arith.constant 0 : index
    %swap3A_43 = vector.load %arg3[%swap3A_40, %swap3A_41, %swap3A_42] : memref<128x8x2048xf32, #tpu.memory_space<vmem>>, vector<128x8x2048xf32>
    tpu.vector_store %arg3[%swap3A_40, %swap3A_41, %swap3A_42], %select_n3A {strides = array<i32>} : memref<128x8x2048xf32, #tpu.memory_space<vmem>>, vector<128x8x2048xf32>,
    %ne3A = arith.constant 0.000000e+00 : f32
    %ne3A_44 = vector.broadcast %ne3A : f32 to vector<128x8xf32>
    %ne3A_45 = arith.cmpf one, %div3A_10, %ne3A_44 : vector<128x8xf32>
    %convert_element_type3A_46 = arith.extui %ne3A_45 : vector<128x8xi1> to vector<128x8xi32>
    %swap3A_47 = arith.constant 0 : index
    %swap3A_48 = arith.constant 0 : index
    %swap3A_49 = vector.load %arg4[%swap3A_47, %swap3A_48] : memref<128x8xi32, #tpu.memory_space<vmem>>, vector<128x8xi32>
    tpu.vector_store %arg4[%swap3A_47, %swap3A_48], %convert_element_type3A_46 {strides = array<i32>} : memref<128x8xi32, #tpu.memory_space<vmem>>, vector<128x8xi32>,
    return
  }
  func.func @transform_0(%arg0: i32) -> (i32, i32) {
    %c0_i32 = arith.constant 0 : i32
    %c0_i32_0 = arith.constant 0 : i32
    return %arg0, %c0_i32 : i32, i32
  }
  func.func @transform_1(%arg0: i32) -> (i32, i32) {
    %c0_i32 = arith.constant 0 : i32
    %c0_i32_0 = arith.constant 0 : i32
    %c0_i32_1 = arith.constant 0 : i32
    return %c0_i32, %c0_i32_0 : i32, i32
  }
  func.func @transform_2(%arg0: i32) -> (i32, i32, i32) {
    %c0_i32 = arith.constant 0 : i32
    %c0_i32_0 = arith.constant 0 : i32
    %c0_i32_1 = arith.constant 0 : i32
    return %arg0, %c0_i32, %c0_i32_0 : i32, i32, i32
  }
  func.func @transform_3(%arg0: i32) -> (i32, i32) {
    %c0_i32 = arith.constant 0 : i32
    %c0_i32_0 = arith.constant 0 : i32
    return %arg0, %c0_i32 : i32, i32
  }
  func.func @transform_4(%arg0: i32) -> (i32, i32) {
    %c0_i32 = arith.constant 0 : i32
    %c0_i32_0 = arith.constant 0 : i32
    %c0_i32_1 = arith.constant 0 : i32
    return %c0_i32, %c0_i32_0 : i32, i32
  }
}

</mosaic_0001>

<sc_bundles>
// kernel: kernel.4.cloned.1.call-start
scs
__scs_entry_jumppad:
0x0: {  	(pc) =	sbr.rel $0x88, $3  }
0x1: {  	(tag) =	ssettag $0x0;
	lr =	simm.s32 $0x1  }
0x2: {  	[smem:$0x3F9F] =	sst lr;
	_ =	strace $0xD0000000  }
0x3: {  	_ = 	snop  }
0x4: {  	_ = 	snop  }
0x5: {  	_ = 	snop  }
0x6: {  	_ = 	snop  }
0x7: {  	_ = 	snop  }
__scs_overlays_trampoline_lowered:
0x8: {  	[smem:$0x3FAE] =	sst s0  }
0x9: {  	[smem:$0x3FAF] =	sst s1  }
0xa: {  	[smem:$0x3FB0] =	sst s2  }
0xb: {  	[smem:$0x3FB1] =	sst s3  }
0xc: {  	[smem:$0x3FB2] =	sst s4  }
0xd: {  	[smem:$0x3FB3] =	sst s5  }
0xe: {  	[smem:$0x3FB4] =	sst s6  }
0xf: {  	[smem:$0x3FB5] =	sst s7  }
0x10: {  	[smem:$0x3FB6] =	sst s8  }
0x11: {  	[smem:$0x3FB7] =	sst s9;
	s0 =	simm.s32 @!p0 $0x0  }
0x12: {  	s1 =	sld [smem:$0x3F9D];
	s0 =	simm.s32 @p0 $0x1  }
0x13: {  	[smem:$0x3FB8] =	sst s0;
	s0 =	simm.s32 @!p1 $0x0  }
0x14: {  	s2 =	sld [smem:$0x3F9C];
	s0 =	simm.s32 @p1 $0x1  }
0x15: {  	[smem:$0x3FB9] =	sst s0;
	s0 =	simm.s32 @!p2 $0x0  }
0x16: {  	s3 =	sld [smem:$0x3FDB];
	s0 =	simm.s32 @p2 $0x1  }
0x17: {  	s4 =	simm.s32 $0x1BF5;
	[smem:$0x3FBB] =	sst s0  }
0x18: {  	s0 =	sld [smem:$0x3F9E];
	_ =	swait.ge [sflag:s4], $0x0  }
0x19: {  	s7 =	sld [smem:$0x3F9F]  }
0x1a: {  	s8 =	sadd.s32 $0xFFFFE003, lr  }
0x1b: {  	s9 =	sadd.s32 $0xFFFFFEF7, lr;
	s5 =	simm.s32 $0xFFFFFFFF;
	p2 =	slt.u32 s8, $0xFFFFF086  }
0x1c: {  	p1 =	slt.u32 s9, $0xF7A;
	s5 =	simm.s32 @!p2 $0x0  }
0x1d: {  	s5 =	simm.s32 @p1 $0x1;
	p0 =	seq.s32 s7, s2  }
0x1e: {  	s7 =	smul.u32 @!p0 $0xF7A, s2;
	p2 =	seq.s32 @!p0 s5, $0x0  }
0x1f: {  	s9 =	smul.u32 $0xF7A, s1;
	s8 =	simm.s32 @!p0 $0x1BF5;
	p2 =	por !p2, p0  }
0x20: {  	[sflag:s8] =	ssyncset.s32 @!p0 $0xFFFFF086;
	s6 =	sadd.s32 @!p0 s3, s7;
	s7 =	simm.s32 @!p0 $0x108  }
0x21: {  	s3 =	sadd.s32 s3, s9;
	s6 =	sadd.s32 @!p0 $0x88, s6;
	s7 =	simm.s32 @p2 $0x1082  }
0x22: {  	[simem:s7], [sflag:s8] =	dma.local @!p0 [hbm:s6], $0xF7A  }
0x23: {  	s9 =	sor.u32 $0xD0000000, s2;
	s6 =	simm.s32 $0x108;
	_ =	swait.ge @!p0 [sflag:s8], $0x0  }
0x24: {  	s3 =	sadd.s32 $0x88, s3;
	s6 =	simm.s32 @!p1 $0x1082;
	[sflag:s4] =	ssyncset.s32 $0xFFFFF086  }
0x25: {  	[simem:s6], [sflag:s4] =	dma.local [hbm:s3], $0xF7A  }
0x26: {  	[smem:$0x3F9F] =	sst s1;
	(tag) =	ssettag s2;
	_ =	strace s9  }
0x27: {  	s1 =	sld [smem:$0x3FAF]  }
0x28: {  	s2 =	sld [smem:$0x3FB0]  }
0x29: {  	s4 =	sld [smem:$0x3FB2]  }
0x2a: {  	p0 =	seq.s32 s5, $0x0;
	s5 =	sld [smem:$0x3FB3]  }
0x2b: {  	s6 =	sld [smem:$0x3FB4]  }
0x2c: {  	s7 =	sld [smem:$0x3FB5]  }
0x2d: {  	s3 =	simm.s32 $0x108;
	s8 =	sld [smem:$0x3FB6]  }
0x2e: {  	s3 =	simm.s32 @!p0 $0x1082;
	s9 =	sld [smem:$0x3FB7]  }
0x2f: {  	lr =	sadd.s32 s0, s3;
	s0 =	sld [smem:$0x3FAE]  }
0x30: {  	s3 =	sld [smem:$0x3FB1]  }
0x31: {  	[smem:$0x3FBA] =	sst s10  }
0x32: {  	s10 =	sld [smem:$0x3FB8];
	_ =	sdelay $0x3  }
0x33: {  	p0 =	seq.s32 s10, $0x1;
	s10 =	sld [smem:$0x3FBA];
	_ =	sdelay $0x3  }
0x34: {  	[smem:$0x3FBA] =	sst s10  }
0x35: {  	s10 =	sld [smem:$0x3FB9];
	_ =	sdelay $0x3  }
0x36: {  	p1 =	seq.s32 s10, $0x1;
	s10 =	sld [smem:$0x3FBA];
	_ =	sdelay $0x3  }
0x37: {  	[smem:$0x3FBA] =	sst s10  }
0x38: {  	s10 =	sld [smem:$0x3FBB]  }
0x39: {  	_ = 	snop;
	(pc) =	sbr.ind lr, $3  }
0x3a: {  	_ = 	snop  }
0x3b: {  	_ = 	snop  }
0x3c: {  	p2 =	seq.s32 s10, $0x1;
	s10 =	sld [smem:$0x3FBA]  }
0x3d: {  	_ =	shalt  }
0x3e: {  	_ =	shalt  }
0x3f: {  	_ =	shalt  }
0x40: {  	_ =	shalt  }
0x41: {  	_ =	shalt  }
0x42: {  	_ =	shalt  }
0x43: {  	_ =	shalt  }
0x44: {  	_ =	shalt  }
0x45: {  	_ =	shalt  }
0x46: {  	_ =	shalt  }
0x47: {  	_ =	shalt  }
0x48: {  	_ =	shalt  }
0x49: {  	_ =	shalt  }
0x4a: {  	_ =	shalt  }
0x4b: {  	_ =	shalt  }
0x4c: {  	_ =	shalt  }
0x4d: {  	_ =	shalt  }
0x4e: {  	_ =	shalt  }
0x4f: {  	_ =	shalt  }
0x50: {  	_ =	shalt  }
0x51: {  	_ =	shalt  }
0x52: {  	_ =	shalt  }
0x53: {  	_ =	shalt  }
0x54: {  	_ =	shalt  }
0x55: {  	_ =	shalt  }
0x56: {  	_ =	shalt  }
0x57: {  	_ =	shalt  }
0x58: {  	_ =	shalt  }
0x59: {  	_ =	shalt  }
0x5a: {  	_ =	shalt  }
0x5b: {  	_ =	shalt  }
0x5c: {  	_ =	shalt  }
0x5d: {  	_ =	shalt  }
0x5e: {  	_ =	shalt  }
0x5f: {  	_ =	shalt  }
0x60: {  	_ =	shalt  }
0x61: {  	_ =	shalt  }
0x62: {  	_ =	shalt  }
0x63: {  	_ =	shalt  }
0x64: {  	_ =	shalt  }
0x65: {  	_ =	shalt  }
0x66: {  	_ =	shalt  }
0x67: {  	_ =	shalt  }
0x68: {  	_ =	shalt  }
0x69: {  	_ =	shalt  }
0x6a: {  	_ =	shalt  }
0x6b: {  	_ =	shalt  }
0x6c: {  	_ =	shalt  }
0x6d: {  	_ =	shalt  }
0x6e: {  	_ =	shalt  }
0x6f: {  	_ =	shalt  }
0x70: {  	_ =	shalt  }
0x71: {  	_ =	shalt  }
0x72: {  	_ =	shalt  }
0x73: {  	_ =	shalt  }
0x74: {  	_ =	shalt  }
0x75: {  	_ =	shalt  }
0x76: {  	_ =	shalt  }
0x77: {  	_ =	shalt  }
0x78: {  	_ =	shalt  }
0x79: {  	_ =	shalt  }
0x7a: {  	_ =	shalt  }
0x7b: {  	_ =	shalt  }
0x7c: {  	_ =	shalt  }
0x7d: {  	_ =	shalt  }
0x7e: {  	_ =	shalt  }
0x7f: {  	_ =	shalt  }
0x80: {  	_ =	shalt  }
0x81: {  	_ =	shalt  }
0x82: {  	_ =	shalt  }
0x83: {  	_ =	shalt  }
0x84: {  	_ =	shalt  }
0x85: {  	_ =	shalt  }
0x86: {  	_ =	shalt  }
0x87: {  	_ =	shalt  }
.Lfunc_end0:
.L_simem_size_0:
called_computation.2_lowered:
.L_overlay_start_0:
0x88: {  	s2 =	sld [smem:$0x3FD9]  }
0x89: {  	s3 =	sld [smem:$0x3FFE];
	_ =	sdelay $0x1  }
0x8a: {  	s1 =	srdreg.scid  }
0x8b: {  	s0 =	sand.u32 $0x1, s1  }
0x8c: {  	s14 =	sshll.u32 s0, $0xA;
	s2 =	sadd.s32 s3, s2  }
0x8d: {  	s2 =	sadd.s32 s2, s14  }
0x8e: {  	[smem:$0x3FC6] =	sst s2  }
0x8f: {  	_ = 	snop  }
0x90: {  	s2 =	sld [smem:$0x3FD0];
	_ =	sdelay $0x2  }
0x91: {  	s15 =	simm.s32 $0xA;
	s4 =	simm.s32 $0x10  }
0x92: {  	[smem:s4], [sflag:s15] =	dma.local [hbm:s2], $0x1  }
0x93: {  	_ =	swait.eq [sflag:s15], $0x1  }
0x94: {  	[sflag:s15] =	ssyncset.done $0x0  }
0x95: {  	[sflag:s15] =	ssyncadd.s32 $0xFFFFFFFF  }
0x96: {  	s16 =	sld [smem:$0x11];
	(tm) =	ssettm $0x1  }
0x97: {  	s17 =	sld [smem:$0x3FFB];
	_ =	sdelay $0x3  }
0x98: {  	_ =	strace s17  }
0x99: {  	s3 =	sld [smem:$0x3FFC];
	_ =	sdelay $0x3  }
0x9a: {  	_ =	strace s3  }
0x9b: {  	s3 =	sld [smem:$0x3FFD];
	_ =	sdelay $0x3  }
0x9c: {  	_ =	strace s3  }
0x9d: {  	_ =	strace $0x8FFFFFFF  }
0x9e: {  	s18 =	sld [smem:$0x3FDB];
	_ =	sdelay $0x1  }
0x9f: {  	s19 =	simm.s32 $_scs_section_size  }
0xa0: {  	s5 =	simm.s32 $_size__tile_overlayer_lowered;
	s6 =	simm.s32 $_tile_overlayer_lowered  }
0xa1: {  	s22 =	simm.s32 $0x1BFF;
	s21 =	sshll.u32 s6, $0x1;
	s3 =	sadd.s32 s19, s18  }
0xa2: {  	s7 =	simm.s32 $0x0;
	s20 =	sshll.u32 s5, $0x1;
	s5 =	sadd.s32 s21, s3  }
0xa3: {  	[timem:s7], [sflag:s22] =	dma.local [hbm:s5], s20  }
0xa4: {  	_ =	swait.ge [sflag:s22], s20  }
0xa5: {  	s4 =	ssub.s32 $0x0, s20;
	[sflag:s22] =	ssyncset.done $0x0  }
0xa6: {  	[sflag:s22] =	ssyncadd.s32 s4;
	_ =	sdelay $0x1  }
0xa7: {  	s23 =	simm.s32 $0x1B8B  }
0xa8: {  	_ =	swait.ge [sflag:s23], $0x1  }
0xa9: {  	[sflag:s23] =	ssyncset.done $0x0  }
0xaa: {  	s25 =	simm.s32 $0x1B8E;
	s24 =	sld [smem:$0x3FFE];
	[sflag:s23] =	ssyncadd.s32 $0xFFFFFFFF  }
0xab: {  	s26 =	simm.s32 $execute0_lowered;
	[smem:$0x3FD2] =	sst s25  }
0xac: {  	s5 =	sshll.u32 s26, $0x1;
	_ =	strace $0x80000046;
	[dreg:$0x1] =	wrdreg $0xFFFFFFFF  }
0xad: {  	s28 =	simm.s32 $_size_execute0_lowered;
	s3 =	sadd.s32 s3, s5;
	[dreg:$0x0] =	wrdreg $0x0  }
0xae: {  	s5 =	sshll.u32 s28, $0x1;
	[dreg:$0x2] =	wrdreg s3  }
0xaf: {  	[dreg:$0x3] =	wrdreg s5  }
0xb0: {  	[dreg:$0x4] =	wrdreg $0xC0  }
0xb1: {  	_ =	task [dreg:s7], $0x5FFFF  }
0xb2: {  	[dreg:$0x1] =	wrdreg $0xFFFFFFFF  }
0xb3: {  	[dreg:$0x0] =	wrdreg $0x60  }
0xb4: {  	[dreg:$0x2] =	wrdreg s16  }
0xb5: {  	[dreg:$0x3] =	wrdreg s24  }
0xb6: {  	[dreg:$0x4] =	wrdreg $0x9  }
0xb7: {  	_ =	task.clear_ibuf [dreg:s7], $0x5FFFF;
	_ =	strace $0x90000046  }
0xb8: {  	s29 =	simm.s32 $0x9;
	_ =	strace $0x80000048  }
0xb9: {  	_ =	swait.ge [sflag:s29], $0x1  }
0xba: {  	[sflag:s29] =	ssyncadd.s32 $0xFFFFFFFF  }
0xbb: {  	_ =	strace $0x90000048  }
0xbc: {  	_ =	sfence  }
0xbd: {  	s30 =	sld [smem:$0x0];
	_ =	sdelay $0x2  }
0xbe: {  	s31 =	sshll.u32 s1, $0xD;
	s1 =	sshrl.u32 s1, $0x2  }
0xbf: {  	s3 =	sand.u32 $0x4000, s31;
	s1 =	sadd.s32 s1, s30  }
0xc0: {  	s0 =	sor.u32 s3, s0;
	s1 =	sshll.u32 s1, $0x11  }
0xc1: {  	s0 =	sor.u32 s1, s0  }
0xc2: {  	s0 =	sadd.s32 $0x8F2B, s0  }
0xc3: {  	[sflag:s0] =	ssyncadd.remote.s32 $0x1  }
0xc4: {  	_ =	sfence.sel $0xFFFF  }
0xc5: {  	[dreg:$0x0] =	wrdreg $0xFFFFFFFF;
	(pc) =	sbr.abs _section_cstart, $3  }
0xc6: {  	[dreg:$0x1] =	wrdreg $0xFFFFFFFF  }
0xc7: {  	_ =	task.clear_ibuf [dreg:s7], $0x2FFFF;
	_ =	strace $0x9FFFFFFF  }
0xc8: {  	(tm) =	ssettm $0x7FFFFFFF  }
0xc9: {  	_ =	shalt  }
tec
execute0_lowered:
.L_overlay_start_1:
0x0: {  	(tag) =	ssettag $0x1  }
0x1: {  	s0 =	rddreg [dreg:$0x0]  }
0x2: {  	s1 =	rddreg [dreg:$0x1];
	s2 =	simm.s32 $0x0  }
0x3: {  	s3 =	srdreg.scid;
	s23 =	stileid.u32;
	s13 =	simm.s32 $0x400  }
0x4: {  	s14 =	simm.s32 $0x1200;
	s15 =	simm.s32 $0x1;
	s16 =	simm.s32 $0x2  }
0x5: {  	s17 =	simm.s32 $0x0;
	[smem:$0x7FF] =	sst s2;
	s9 =	sand.u32 $0x1, s3  }
0x6: {  	s5 =	sshll.u32 s23, $0x1;
	s3 =	sadd.s32 $0x1200, s1;
	s7 =	sshll.u32 s23, $0x7  }
0x7: {  	s10 =	sshll.u32 s23, $0xB;
	s30 =	sshll.u32 s23, $0xA;
	_ =	strace $0x80000047  }
0x8: {  	s4 =	ssub.s32 $0x2, s9;
	s5 =	sor.u32 s9, s5;
	s8 =	sshll.u32 s9, $0x6  }
0x9: {  	s11 =	sshll.u32 s9, $0xA;
	s12 =	sshll.u32 s9, $0x9;
	s24 =	sshrl.u32 s4, $0x1  }
0xa: {  	s25 =	sshll.u32 s5, $0x6;
	s6 =	sshll.u32 s5, $0xF;
	s26 =	sshll.u32 s5, $0x4  }
0xb: {  	s7 =	sor.u32 s8, s7;
	s10 =	sor.u32 s11, s10;
	s31 =	sor.u32 s12, s30  }
0xc: {  	v0 =	vlaneseq.u32;
	s11 =	simm.s32 $0x200;
	s12 =	simm.s32 $0x80;
	s1 =	ssub.s32 s4, s24  }
0xd: {  	vm0 =	vcmask $0x3F20;
	v0 =	vmul.u32 $0x200, v0;
	s0 =	sadd.s32 s0, s25;
	s5 =	sadd.s32 s3, s6;
	[dreg:$0x3] =	wrdreg s31  }
0xe: {  	s29 =	sshll.u32 s7, $0x9;
	s10 =	sor.u32 $0x30, s10;
	[dreg:$0x5] =	wrdreg s0  }
0xf: {  	v2 =	vadd.s32 $0xFFFFF000, v0;
	s28 =	sadd.s32 $0x10, s5;
	s8 =	smax.u32 s1, $0x1;
	[dreg:$0x4] =	wrdreg s10  }
0x10: {  	v4 =	vimm.s32 $0x0;
	v1 =	vor.u32 s26, v0;
	v3 =	vor.u32 s26, v2;
	s9 =	sor.u32 $0x400, s29;
	s10 =	simm.s32 $0x3;
	[dreg:$0x6] =	wrdreg s28  }
.LBB2_1:
0x11: {  	s0 =	simm.s32 $0x0;
	s1 =	rddreg [dreg:$0x5]  }
0x12: {  	[tilespmem:s0], [sflag:$0x3] =	stream.linear.gather [hbm4b:s1+s0], $0x200, $0x38;
	[tilespmem:$0x2200] =	vst v63  }
0x13: {  	_ =	swait.ge [sflag:s10], $0x200  }
0x14: {  	[sflag:s10] =	ssyncset.done $0x0  }
0x15: {  	s18 =	simm.s32 $0x0;
	s0 =	simm.s32 $0x40;
	[sflag:s10] =	ssyncadd.s32 $0xFFFFFE00  }
.LBB2_2:
0x16: {  	p0 =	sne.s32 s0, $0x3FC0;
	[tilespmem:s18+$0x200] =	vst v4;
	s1 =	smov.u32 s0;
	s0 =	sadd.s32 $0x40, s0  }
.Ltmp0:
0x17: {  	[tilespmem:s18+$0x1200] =	vst v4;
	(pc) =	sbr.rel @p0 .LBB2_2-.Ltmp0, $2  }
0x18: {  	_ =	sdelay $0x2  }
0x19: {  	s18 =	sshra.s32 s1, $0x2  }
0x1a: {  	[tilespmem:s18+$0x200] =	vst v4  }
0x1b: {  	[tilespmem:s18+$0x1200] =	vst v4;
	s0 =	simm.s32 $0x0  }
0x1c: {  	s1 =	sadd.s32 $0x0, s7;
	v5 =	vld [tilespmem:$0x0];
	s0 =	sand.u32 $0x1, s0  }
0x1d: {  	p0 =	seq.s32 s1, $0x0;
	p1 =	seq.s32 s0, $0x1  }
0x1e: {  	p0 =	por !p0, !p1  }
0x1f: {  	s0 =	simm.s32 $0x1;
	p0 =	por !p0, !p0  }
0x20: {  	s26 =	sshrl.u32 s1, $0x2;
	s0 =	simm.s32 @!p0 $0x0  }
0x21: {  	[tilespmem:v1+s11+$0x0] =	vst.idx.msk $0xff, v5;
	s0 =	ssub.s32 s26, s0  }
0x22: {  	v5 =	vshll.u32 v5, $0x8;
	[hbm4b:s5+s12] =	stream.strided.scatter [tilespmem:s11], [sflag:$0x1], $0x1000, s13, s12, $0x38;
	[tilespmem:$0x2200] =	vst v63  }
0x23: {  	s2 =	rddreg [dreg:$0x6];
	[tilespmem:v3+s14+$0x0] =	vst.idx.msk vm0, v5;
	v5 =	vadd.s32 s0, v0  }
0x24: {  	[hbm4b:s2+s12] =	stream.strided.scatter [tilespmem:s14], [sflag:$0x2], $0x1000, s13, s12, $0x38;
	[tilespmem:$0x2200] =	vst v63  }
0x25: {  	_ =	swait.ge [sflag:s15], $0x1000  }
0x26: {  	s4 =	sshra.s32 s1, $0x1F;
	[sflag:s15] =	ssyncset.done $0x0  }
0x27: {  	s0 =	sadd.s32 s4, s26;
	[sflag:s15] =	ssyncadd.s32 $0xFFFFF000  }
0x28: {  	s22 =	simm.s32 $0x10;
	s28 =	simm.s32 $0x4;
	s18 =	simm.s32 $0x28;
	[tilespmem:v5+s11+$0x0] =	vst.idx.msk $0xff, v4;
	v5 =	vadd.s32 s0, v2  }
0x29: {  	s21 =	simm.s32 $0x20;
	s20 =	sadd.s32 $0x400, s9;
	s23 =	sand.u32 $0xFFFF000, s9  }
0x2a: {  	s25 =	simm.s32 $0x10;
	s19 =	simm.s32 $0x20;
	_ =	swait.ge [sflag:s16], $0x1000  }
0x2b: {  	s24 =	simm.s32 $0x1;
	s1 =	sadd.s32 $0x2, s1;
	[sflag:s16] =	ssyncset.done $0x0  }
0x2c: {  	s25 =	sand.u32 $0x10, s25;
	s1 =	sshrl.u32 s1, $0x2;
	[sflag:s16] =	ssyncadd.s32 $0xFFFFF000  }
0x2d: {  	s26 =	sand.u32 $0x1, s24;
	s24 =	sadd.s32 s3, s23;
	s2 =	sadd.s32 $0x2, s7;
	[tilespmem:v5+s14+$0x0] =	vst.idx.msk vm0, v4  }
0x2e: {  	s4 =	sand.u32 $0x60, s19;
	p6 =	seq.s32 s26, $0x1;
	p5 =	seq.s32 s2, $0x0;
	v5 =	vld [tilespmem:s22+$0x0]  }
0x2f: {  	v7 =	vadd.s32 s1, v0;
	v6 =	vadd.s32 s1, v2;
	s1 =	sadd.s32 s3, s4;
	p0 =	por !p5, !p6;
	s6 =	rddreg [dreg:$0x3]  }
0x30: {  	s26 =	sadd.s32 $0x2, s2;
	p0 =	por !p0, !p0;
	s0 =	sadd.s32 $0x18, s6  }
0x31: {  	s29 =	rddreg [dreg:$0x4];
	s30 =	sand.u32 $0x18, s0;
	s0 =	simm.s32 $0x1  }
0x32: {  	s0 =	simm.s32 @!p0 $0x0;
	s22 =	sshrl.u32 s26, $0x2;
	s26 =	sshrl.u32 s2, $0x2  }
0x33: {  	s31 =	sadd.s32 $0x0, s29;
	s29 =	sshra.s32 s2, $0x1F;
	s0 =	ssub.s32 s26, s0;
	v8 =	vshll.u32 v5, s25  }
.LBB2_4:
0x34: {  	[tilespmem:v7+s11+$0x0] =	vst.idx.msk $0xff, v8;
	s1 =	sadd.s32 s23, s1;
	s6 =	sand.u32 $0x70, s31;
	s2 =	smov.u32 s28  }
0x35: {  	v5 =	vshll.u32 v5, s30;
	[hbm4b:s1+s12] =	stream.strided.scatter [tilespmem:s11], [sflag:$0x1], $0x1000, s13, s12, $0x38;
	[tilespmem:$0x2200] =	vst v63  }
0x36: {  	v9 =	vadd.s32 s0, v0;
	s25 =	sadd.s32 $0x2, s28;
	s4 =	smov.u32 s18;
	s23 =	sadd.s32 s6, s24;
	[tilespmem:v6+s14+$0x0] =	vst.idx.msk vm0, v5  }
0x37: {  	[hbm4b:s23+s12] =	stream.strided.scatter [tilespmem:s14], [sflag:$0x2], $0x1000, s13, s12, $0x38;
	[tilespmem:$0x2200] =	vst v63  }
0x38: {  	s31 =	smov.u32 s21;
	p0 =	sne.s32 s28, $0x3C;
	_ =	swait.ge [sflag:s15], $0x1000  }
0x39: {  	s0 =	smov.u32 s19;
	s26 =	sadd.s32 s29, s26;
	[sflag:s15] =	ssyncset.done $0x0  }
0x3a: {  	s18 =	sadd.s32 $0x10, s18;
	s21 =	sadd.s32 $0x10, s21;
	v5 =	vadd.s32 s26, v2;
	[sflag:s15] =	ssyncadd.s32 $0xFFFFF000  }
0x3b: {  	s19 =	sadd.s32 $0x20, s19;
	s24 =	smov.u32 s20;
	s20 =	sadd.s32 $0x400, s20;
	[tilespmem:v9+s11+$0x0] =	vst.idx.msk $0xff, v4  }
0x3c: {  	s6 =	sadd.s32 $0xFFFFFFF8, s4;
	s28 =	sshrl.u32 s2, $0x1;
	_ =	swait.ge [sflag:s16], $0x1000  }
0x3d: {  	s2 =	sadd.s32 s2, s7;
	s28 =	sand.u32 $0x1, s28;
	[sflag:s16] =	ssyncset.done $0x0  }
0x3e: {  	s6 =	sand.u32 $0x10, s6;
	p1 =	seq.s32 s2, $0x0;
	[sflag:s16] =	ssyncadd.s32 $0xFFFFF000  }
0x3f: {  	s26 =	sadd.s32 $0x2, s2;
	s23 =	sand.u32 $0xFFFF000, s24;
	p2 =	seq.s32 s28, $0x1;
	[tilespmem:v5+s14+$0x0] =	vst.idx.msk vm0, v4  }
0x40: {  	v7 =	vadd.s32 s22, v0;
	v6 =	vadd.s32 s22, v2;
	s28 =	sand.u32 $0x60, s19;
	s22 =	sshrl.u32 s26, $0x2;
	s26 =	sshrl.u32 s2, $0x2;
	v5 =	vld [tilespmem:s31+$0x0]  }
.Ltmp1:
0x41: {  	p1 =	por !p1, !p2;
	s1 =	rddreg [dreg:$0x3];
	(pc) =	sbr.rel @p0 .LBB2_4-.Ltmp1, $4  }
0x42: {  	s24 =	sadd.s32 s3, s23;
	p1 =	por !p1, !p1;
	s1 =	sadd.s32 s4, s1  }
0x43: {  	s29 =	rddreg [dreg:$0x4];
	s30 =	sand.u32 $0x18, s1;
	s1 =	simm.s32 $0x1  }
0x44: {  	s1 =	simm.s32 @!p1 $0x0;
	s31 =	sadd.s32 s0, s29;
	s29 =	sshra.s32 s2, $0x1F  }
0x45: {  	s0 =	ssub.s32 s26, s1;
	s1 =	sadd.s32 s3, s28;
	s28 =	smov.u32 s25;
	v8 =	vshll.u32 v5, s6  }
0x46: {  	_ =	sdelay $0x3  }
0x47: {  	[tilespmem:v7+s11+$0x0] =	vst.idx.msk $0xff, v8;
	s1 =	sadd.s32 s23, s1;
	s2 =	sand.u32 $0x70, s31  }
0x48: {  	v5 =	vshll.u32 v5, s30;
	[hbm4b:s1+s12] =	stream.strided.scatter [tilespmem:s11], [sflag:$0x1], $0x1000, s13, s12, $0x38;
	[tilespmem:$0x2200] =	vst v63  }
0x49: {  	v7 =	vadd.s32 s0, v0;
	s24 =	sadd.s32 s2, s24;
	[tilespmem:v6+s14+$0x0] =	vst.idx.msk vm0, v5  }
0x4a: {  	[hbm4b:s24+s12] =	stream.strided.scatter [tilespmem:s14], [sflag:$0x2], $0x1000, s13, s12, $0x38;
	[tilespmem:$0x2200] =	vst v63  }
0x4b: {  	_ =	swait.ge [sflag:s15], $0x1000  }
0x4c: {  	s25 =	sadd.s32 s29, s26;
	[sflag:s15] =	ssyncset.done $0x0  }
0x4d: {  	v5 =	vadd.s32 s25, v2;
	[sflag:s15] =	ssyncadd.s32 $0xFFFFF000  }
0x4e: {  	[tilespmem:v7+s11+$0x0] =	vst.idx.msk $0xff, v4  }
0x4f: {  	_ =	swait.ge [sflag:s16], $0x1000  }
0x50: {  	[sflag:s16] =	ssyncset.done $0x0  }
0x51: {  	[sflag:s16] =	ssyncadd.s32 $0xFFFFF000  }
0x52: {  	[tilespmem:v5+s14+$0x0] =	vst.idx.msk vm0, v4  }
0x53: {  	v5 =	vld [tilespmem:s21+$0x0]  }
0x54: {  	v6 =	vadd.s32 s22, v0  }
0x55: {  	s29 =	sand.u32 $0xFFFF000, s20;
	s4 =	sadd.s32 $0xFFFFFFF8, s18  }
0x56: {  	s6 =	sadd.s32 $0x20, s19;
	s20 =	sadd.s32 s3, s29;
	v7 =	vadd.s32 s22, v2;
	s26 =	rddreg [dreg:$0x3]  }
0x57: {  	s4 =	sand.u32 $0x10, s4;
	s6 =	sand.u32 $0x60, s6;
	s28 =	rddreg [dreg:$0x4]  }
0x58: {  	s30 =	sadd.s32 s3, s6;
	s0 =	sadd.s32 s18, s26;
	s1 =	sadd.s32 s19, s28;
	v63 =	vshll.u32 v5, s4  }
0x59: {  	s2 =	sadd.s32 s29, s30;
	s0 =	sand.u32 $0x18, s0;
	s1 =	sand.u32 $0x70, s1;
	[tilespmem:v6+s11+$0x0] =	vst.idx.msk $0xff, v63  }
0x5a: {  	v5 =	vshll.u32 v5, s0;
	[hbm4b:s2+s12] =	stream.strided.scatter [tilespmem:s11], [sflag:$0x1], $0x1000, s13, s12, $0x38;
	[tilespmem:$0x2200] =	vst v63  }
0x5b: {  	s17 =	sadd.s32 $0x1, s17;
	s31 =	sadd.s32 s1, s20;
	[tilespmem:v7+s14+$0x0] =	vst.idx.msk vm0, v5  }
0x5c: {  	[hbm4b:s31+s12] =	stream.strided.scatter [tilespmem:s14], [sflag:$0x2], $0x1000, s13, s12, $0x38;
	[tilespmem:$0x2200] =	vst v63  }
0x5d: {  	p0 =	sne.s32 s17, s8;
	_ =	swait.ge [sflag:s15], $0x1000  }
.Ltmp2:
0x5e: {  	[sflag:s15] =	ssyncset.done $0x0;
	(pc) =	sbr.rel @p0 .LBB2_1-.Ltmp2, $4  }
0x5f: {  	[sflag:s15] =	ssyncadd.s32 $0xFFFFF000  }
0x60: {  	_ =	swait.ge [sflag:s16], $0x1000  }
0x61: {  	[sflag:s16] =	ssyncset.done $0x0  }
0x62: {  	[sflag:s16] =	ssyncadd.s32 $0xFFFFF000  }
0x63: {  	_ =	sfence.sel $0x180000  }
0x64: {  	[bflag:$0x0] =	sbarrier.arrive $0xFFFF  }
0x65: {  	_ =	strace $0x90000047  }
0x66: {  	s0 =	stileid.u32;
	[bflag:$0x2] =	sbarrier.arrive $0xFFFF  }
0x67: {  	p0 =	sne.s32 s0, $0x0;
	s0 =	rddreg [dreg:$0x2]  }
0x68: {  	s0 =	sadd.s32 @!p0 $0x100000, s0  }
0x69: {  	[sflag:s0] =	ssyncadd.tile.s32 @!p0 $0x1;
	_ =	shalt  }
.Lfunc_end2:
_tile_overlayer_lowered:
.L_overlay_start_2:
0x6a: {  	(tag) =	ssettag $0x2  }
0x6b: {  	s0 =	rddreg [dreg:$0x0];
	s2 =	stileid.u32  }
0x6c: {  	s1 =	rddreg [dreg:$0x1];
	p0 =	sne.s32 s2, $0x0  }
0x6d: {  	s3 =	rddreg [dreg:$0x2];
	[bflag:$0x3] =	sbarrier.arrive $0xFFFF;
	s2 =	simm.s32 @!p0 $0x1C03  }
0x6e: {  	[timem:s3], [sflag:s2] =	dma.local @!p0 [hbm:s0], s1  }
0x6f: {  	s0 =	simm.s32 @!p0 $0x3  }
0x70: {  	_ =	swait.ge @!p0 [sflag:s0], s1  }
0x71: {  	s1 =	ssub.s32 @!p0 $0x0, s1;
	[sflag:s0] =	ssyncset.done @!p0 $0x0  }
0x72: {  	[sflag:s0] =	ssyncadd.s32 @!p0 s1  }
0x73: {  	[bflag:$0x3] =	sbarrier.arrive $0xFFFF  }
0x74: {  	_ =	shalt  }

// kernel: sparse-core-data-format-call.1.cloned.1.call-start
scs
called_computation.1_lowered:
.L_overlay_start_0:
0x0: {  	s2 =	sld [smem:$0x3FD9]  }
0x1: {  	s3 =	sld [smem:$0x3FFE];
	_ =	sdelay $0x1  }
0x2: {  	s1 =	srdreg.scid  }
0x3: {  	s0 =	sand.u32 $0x1, s1  }
0x4: {  	s15 =	sshll.u32 s0, $0xA;
	s2 =	sadd.s32 s3, s2  }
0x5: {  	s2 =	sadd.s32 s2, s15  }
0x6: {  	[smem:$0x3FC6] =	sst s2  }
0x7: {  	_ = 	snop  }
0x8: {  	s2 =	sld [smem:$0x3FD0];
	_ =	sdelay $0x2  }
0x9: {  	s16 =	simm.s32 $0xA;
	s4 =	simm.s32 $0x10  }
0xa: {  	[smem:s4], [sflag:s16] =	dma.local [hbm:s2], $0x1  }
0xb: {  	_ =	swait.eq [sflag:s16], $0x1  }
0xc: {  	[sflag:s16] =	ssyncset.done $0x0  }
0xd: {  	[sflag:s16] =	ssyncadd.s32 $0xFFFFFFFF  }
0xe: {  	s17 =	sld [smem:$0x11];
	(tm) =	ssettm $0x1  }
0xf: {  	s18 =	sld [smem:$0x3FFB];
	_ =	sdelay $0x3  }
0x10: {  	_ =	strace s18  }
0x11: {  	s3 =	sld [smem:$0x3FFC];
	_ =	sdelay $0x3  }
0x12: {  	_ =	strace s3  }
0x13: {  	s3 =	sld [smem:$0x3FFD];
	_ =	sdelay $0x3  }
0x14: {  	_ =	strace s3  }
0x15: {  	_ =	strace $0x8FFFFFFF  }
0x16: {  	s19 =	sld [smem:$0x3FDB];
	_ =	sdelay $0x1  }
0x17: {  	s20 =	simm.s32 $_scs_section_size  }
0x18: {  	s5 =	simm.s32 $_size__tile_overlayer_lowered;
	s6 =	simm.s32 $_tile_overlayer_lowered  }
0x19: {  	s23 =	simm.s32 $0x1BFF;
	s22 =	sshll.u32 s6, $0x1;
	s3 =	sadd.s32 s20, s19  }
0x1a: {  	s7 =	simm.s32 $0x0;
	s21 =	sshll.u32 s5, $0x1;
	s5 =	sadd.s32 s22, s3  }
0x1b: {  	[timem:s7], [sflag:s23] =	dma.local [hbm:s5], s21  }
0x1c: {  	_ =	swait.ge [sflag:s23], s21  }
0x1d: {  	s4 =	ssub.s32 $0x0, s21;
	[sflag:s23] =	ssyncset.done $0x0  }
0x1e: {  	[sflag:s23] =	ssyncadd.s32 s4;
	_ =	sdelay $0x1  }
0x1f: {  	s24 =	simm.s32 $0x1B8B  }
0x20: {  	_ =	swait.ge [sflag:s24], $0x1  }
0x21: {  	[sflag:s24] =	ssyncset.done $0x0  }
0x22: {  	s26 =	simm.s32 $0x1B8E;
	s25 =	sld [smem:$0x3FFE];
	[sflag:s24] =	ssyncadd.s32 $0xFFFFFFFF  }
0x23: {  	s27 =	simm.s32 $execute0_lowered;
	[smem:$0x3FD2] =	sst s26  }
0x24: {  	s5 =	sshll.u32 s27, $0x1;
	_ =	strace $0x80000049;
	[dreg:$0x1] =	wrdreg $0xFFFFFFFF  }
0x25: {  	s28 =	simm.s32 $_size_execute0_lowered;
	s3 =	sadd.s32 s3, s5;
	[dreg:$0x0] =	wrdreg $0x0  }
0x26: {  	s5 =	sshll.u32 s28, $0x1;
	[dreg:$0x2] =	wrdreg s3  }
0x27: {  	[dreg:$0x3] =	wrdreg s5  }
0x28: {  	[dreg:$0x4] =	wrdreg $0xC0  }
0x29: {  	_ =	task [dreg:s7], $0x5FFFF  }
0x2a: {  	[dreg:$0x1] =	wrdreg $0xFFFFFFFF  }
0x2b: {  	[dreg:$0x0] =	wrdreg $0x60  }
0x2c: {  	[dreg:$0x2] =	wrdreg s17  }
0x2d: {  	[dreg:$0x3] =	wrdreg s25  }
0x2e: {  	[dreg:$0x4] =	wrdreg $0x9  }
0x2f: {  	_ =	task.clear_ibuf [dreg:s7], $0x5FFFF;
	_ =	strace $0x90000049  }
0x30: {  	s29 =	simm.s32 $0x9;
	_ =	strace $0x8000004B  }
0x31: {  	_ =	swait.ge [sflag:s29], $0x1  }
0x32: {  	[sflag:s29] =	ssyncadd.s32 $0xFFFFFFFF  }
0x33: {  	_ =	strace $0x9000004B  }
0x34: {  	_ =	sfence  }
0x35: {  	s30 =	sld [smem:$0x0];
	_ =	sdelay $0x2  }
0x36: {  	s31 =	sshll.u32 s1, $0xD;
	s1 =	sshrl.u32 s1, $0x2  }
0x37: {  	s3 =	sand.u32 $0x4000, s31;
	s1 =	sadd.s32 s1, s30  }
0x38: {  	s0 =	sor.u32 s3, s0;
	s1 =	sshll.u32 s1, $0x11  }
0x39: {  	s0 =	sor.u32 s1, s0  }
0x3a: {  	s0 =	sadd.s32 $0x8F2B, s0  }
0x3b: {  	[sflag:s0] =	ssyncadd.remote.s32 $0x1  }
0x3c: {  	_ =	sfence.sel $0xFFFF  }
0x3d: {  	[dreg:$0x0] =	wrdreg $0xFFFFFFFF;
	(pc) =	sbr.abs _section_cstart, $3  }
0x3e: {  	[dreg:$0x1] =	wrdreg $0xFFFFFFFF  }
0x3f: {  	_ =	task.clear_ibuf [dreg:s7], $0x2FFFF;
	_ =	strace $0x9FFFFFFF  }
0x40: {  	(tm) =	ssettm $0x7FFFFFFF  }
0x41: {  	_ =	shalt  }
tec
execute0_lowered:
.L_overlay_start_1:
0x0: {  	(tag) =	ssettag $0x1  }
0x1: {  	s2 =	rddreg [dreg:$0x0]  }
0x2: {  	s7 =	rddreg [dreg:$0x1];
	s1 =	stileid.u32  }
0x3: {  	s4 =	srdreg.scid;
	s0 =	rddreg [dreg:$0x2];
	_ =	strace $0x8000004A  }
0x4: {  	s9 =	simm.s32 $0x1;
	s31 =	simm.s32 $0x2;
	s14 =	simm.s32 $0x0  }
0x5: {  	s13 =	simm.s32 $0x0;
	s3 =	sshll.u32 s1, $0x7;
	s4 =	sshll.u32 s4, $0x7  }
0x6: {  	s12 =	simm.s32 $0x0;
	s4 =	sand.u32 $0x80, s4;
	s5 =	ssub.s32 $0x800, s3  }
0x7: {  	s6 =	sshrl.u32 s5, $0xB;
	s5 =	sand.u32 $0x780, s5;
	s8 =	ssub.s32 $0x1000, s4  }
0x8: {  	p0 =	sne.s32 s5, $0x0;
	s30 =	sshrl.u32 s8, $0x7;
	s8 =	sshrl.u32 s8, $0x8  }
.Ltmp0:
0x9: {  	s9 =	simm.s32 @!p0 $0x0;
	s10 =	sand.u32 $0x1, s30;
	(pc) =	sbr.rel .LBB1_1-.Ltmp0, $4  }
0xa: {  	s5 =	simm.s32 $0x1;
	s6 =	sadd.s32 s9, s6;
	s8 =	sadd.s32 s8, s10  }
0xb: {  	s7 =	sadd.s32 $0x1200, s7;
	[sflag:s5] =	ssyncpa.u1 $0x0;
	s6 =	smul.u32 s6, s8  }
0xc: {  	s11 =	smov.u32 s3;
	p0 =	por $0x0, $0x0;
	[sflag:s31] =	ssyncpa.u1 $0x0  }
0xd: {  	s9 =	simm.s32 $0x4000;
	s10 =	smov.u32 s4;
	s8 =	sadd.s32 $0x1, s6  }
.LBB1_4:
0xe: {  	v5 =	vld [tilespmem:s17+$0xFFFFFFD0]  }
0xf: {  	[tilespmem:s18+$0x2040 ss:$0x81] =	vst.msk $0xffff, v1;
	v58 =	vld [tilespmem:s17+$0xFFFFFFE0]  }
0x10: {  	[tilespmem:s18+$0x2850 ss:$0x81] =	vst.msk $0xffff, v2;
	v59 =	vld [tilespmem:s17+$0xFFFFFFF0]  }
0x11: {  	s19 =	sshra.s32 s19, $0x2;
	[tilespmem:s18+$0x3060 ss:$0x81] =	vst.msk $0xffff, v3;
	v60 =	vld [tilespmem:s17+$0x0]  }
0x12: {  	[tilespmem:s18+$0x0 ss:$0x81] =	vst.msk $0xffff, v0;
	v61 =	vld [tilespmem:s17+$0x10];
	s16 =	sadd.s32 s19, s16  }
0x13: {  	s26 =	sshll.u32 s14, $0xB;
	v62 =	vld [tilespmem:s17+$0x20];
	[tilespmem:s16+$0x3870 ss:$0x81] =	vst.msk $0xffff, v4  }
0x14: {  	s27 =	sand.u32 $0x78, s13;
	s20 =	sshll.u32 s13, $0x3;
	v63 =	vld [tilespmem:s17+$0xFFFFFFC0];
	s29 =	sshll.u32 s14, $0x7;
	[tilespmem:s16+$0x810 ss:$0x81] =	vst.msk $0xffff, v5  }
0x15: {  	s18 =	sand.u32 $0x7FC000, s26;
	s28 =	sand.u32 $0x7FFC00, s20;
	s20 =	sand.u32 $0x400, s20;
	[tilespmem:s16+$0x1020 ss:$0x81] =	vst.msk $0xffff, v58  }
0x16: {  	s14 =	sand.u32 $0x380, s29;
	s17 =	sadd.s32 s28, s18;
	s30 =	sor.u32 s27, s20;
	[tilespmem:s16+$0x1830 ss:$0x81] =	vst.msk $0xffff, v59  }
0x17: {  	s17 =	sand.u32 $0x7FF800, s17;
	s14 =	sor.u32 s14, s30;
	[tilespmem:s16+$0x2040 ss:$0x81] =	vst.msk $0xffff, v60  }
0x18: {  	s31 =	sand.u32 $0x7, s13;
	s14 =	sor.u32 s17, s14;
	[tilespmem:s16+$0x2850 ss:$0x81] =	vst.msk $0xffff, v61  }
0x19: {  	s13 =	sshll.u32 s31, $0x12;
	[tilespmem:s16+$0x3060 ss:$0x81] =	vst.msk $0xffff, v62;
	s14 =	sshrl.u32 s14, $0x3  }
0x1a: {  	s13 =	sor.u32 $0x400, s13;
	[tilespmem:s16+$0x0 ss:$0x81] =	vst.msk $0xffff, v63;
	s14 =	sadd.s32 s7, s14  }
0x1b: {  	[hbm4b:s14+s13] =	stream.strided.scatter [tilespmem:s15], [sflag:$0x2], $0x4000, s9, s13, $0x20;
	[tilespmem:$0x10100] =	vst v63  }
.LBB1_5:
0x1c: {  	s15 =	sadd.s32 $0x100, s10  }
0x1d: {  	s13 =	sadd.s32 $0x800, s11;
	s17 =	smov.u32 s11;
	p2 =	sgt.s32 s15, $0xFFF  }
0x1e: {  	s17 =	smov.u32 @p2 s13  }
0x1f: {  	s15 =	smov.u32 @p2 s4;
	p2 =	sgt.s32 s17, $0x7FF  }
0x20: {  	s17 =	smov.u32 @p2 s3;
	p2 =	sne.s32 s12, s8  }
.Ltmp1:
0x21: {  	p1 =	slt.u32 s12, $0x2;
	(pc) =	sbr.rel @!p2 .LBB1_6-.Ltmp1, $4  }
0x22: {  	s16 =	simm.s32 @!p1 $0x2  }
0x23: {  	s14 =	smov.u32 s10;
	p0 =	por !p0, !p0;
	_ =	swait.ge @!p1 [sflag:s16], $0x4000  }
0x24: {  	s13 =	smov.u32 s11;
	[sflag:s16] =	ssyncset.done @!p1 $0x0;
	s10 =	smov.u32 s15  }
0x25: {  	s12 =	sadd.s32 $0x1, s12;
	[sflag:s16] =	ssyncadd.s32 @!p1 $0xFFFFC000;
	s11 =	smov.u32 s17  }
.LBB1_1:
0x26: {  	p1 =	sge.u32 s12, s6;
	s31 =	sadd.s32 $0xFFFFFFFF, s12  }
0x27: {  	s15 =	sand.u32 @!p1 $0x78, s10;
	s16 =	sshll.u32 @!p1 s11, $0xC;
	s17 =	sshll.u32 @!p1 s11, $0x7  }
0x28: {  	s18 =	sshll.u32 @!p1 s10, $0x3;
	s16 =	sand.u32 @!p1 $0x7F8000, s16;
	s17 =	sand.u32 @!p1 $0x380, s17  }
0x29: {  	s16 =	sadd.s32 @!p1 s16, s18;
	s18 =	sand.u32 @!p1 $0xC00, s18;
	s15 =	sor.u32 @!p1 s17, s15  }
0x2a: {  	s17 =	sxor.u32 @!p1 $0xFFFFFFFF, s12;
	s16 =	sand.u32 @!p1 $0x7FF000, s16;
	s15 =	sor.u32 @!p1 s18, s15  }
0x2b: {  	s17 =	sshll.u32 @!p1 s17, $0xE;
	s15 =	sor.u32 @!p1 s16, s15;
	s16 =	sand.u32 @!p1 $0x7, s10  }
0x2c: {  	s18 =	simm.s32 @!p1 $0x8000;
	s15 =	sshrl.u32 @!p1 s15, $0x3;
	s16 =	sshll.u32 @!p1 s16, $0x12  }
0x2d: {  	s17 =	sand.u32 @!p1 $0x4000, s17;
	s15 =	sadd.s32 @!p1 s2, s15;
	s16 =	sor.u32 @!p1 $0x400, s16  }
0x2e: {  	[tilespmem:s17], [sflag:$0x1] =	stream.strided.gather @!p1 [hbm4b:s15+s16], $0x4000, s18, s16, $0x38;
	[tilespmem:$0x10100] =	vst v63  }
0x2f: {  	p1 =	sge.u32 s31, s6  }
.Ltmp2:
0x30: {  	_ = 	snop;
	(pc) =	sbr.rel @p1 .LBB1_5-.Ltmp2, $1  }
0x31: {  	_ =	sdelay $0x3  }
0x32: {  	s15 =	simm.s32 $0x1  }
0x33: {  	_ =	swait.ge [sflag:s5], $0x4000;
	s15 =	simm.s32 @!p0 $0x0  }
0x34: {  	[sflag:s5] =	ssyncset.done $0x0;
	s16 =	sshll.u32 s15, $0xE  }
0x35: {  	[sflag:s5] =	ssyncadd.s32 $0xFFFFC000;
	s17 =	sor.u32 $0x40, s16  }
0x36: {  	s15 =	smul.u32 $0x10200, s15;
	v0 =	vld [tilespmem:s17+$0x30]  }
0x37: {  	v3 =	vld [tilespmem:s17+$0xFFFFFFD0]  }
0x38: {  	s15 =	sshrl.u32 s15, $0x2;
	v4 =	vld [tilespmem:s17+$0xFFFFFFE0]  }
0x39: {  	v5 =	vld [tilespmem:s17+$0xFFFFFFF0];
	s16 =	sor.u32 $0x8000, s15  }
0x3a: {  	s31 =	sand.u32 $0x1, s12;
	v1 =	vld [tilespmem:s17+$0x0];
	s18 =	sadd.s32 $0x0, s16  }
0x3b: {  	v2 =	vld [tilespmem:s17+$0x10];
	s15 =	smul.u32 $0x10200, s31;
	[tilespmem:s18+$0x3870 ss:$0x81] =	vst.msk $0xffff, v0  }
0x3c: {  	[tilespmem:s18+$0x810 ss:$0x81] =	vst.msk $0xffff, v3;
	v3 =	vld [tilespmem:s17+$0x20]  }
0x3d: {  	s15 =	sshrl.u32 s15, $0x2;
	v0 =	vld [tilespmem:s17+$0xFFFFFFC0];
	[tilespmem:s18+$0x1020 ss:$0x81] =	vst.msk $0xffff, v4;
	s17 =	sadd.s32 $0x80, s17  }
0x3e: {  	s19 =	simm.s32 $0x4;
	s20 =	simm.s32 $0x8;
	s15 =	sor.u32 $0x8000, s15;
	[tilespmem:s18+$0x1830 ss:$0x81] =	vst.msk $0xffff, v5;
	v4 =	vld [tilespmem:s17+$0x30]  }
.LBB1_3:
0x3f: {  	p1 =	sne.s32 s20, $0x1FC;
	v5 =	vld [tilespmem:s17+$0xFFFFFFD0];
	[tilespmem:s18+$0x2040 ss:$0x81] =	vst.msk $0xffff, v1  }
0x40: {  	v6 =	vld [tilespmem:s17+$0xFFFFFFE0];
	[tilespmem:s18+$0x2850 ss:$0x81] =	vst.msk $0xffff, v2  }
0x41: {  	s21 =	sshra.s32 s19, $0x2;
	s19 =	smov.u32 s20;
	v7 =	vld [tilespmem:s17+$0xFFFFFFF0];
	[tilespmem:s18+$0x3060 ss:$0x81] =	vst.msk $0xffff, v3  }
.Ltmp3:
0x42: {  	v1 =	vld [tilespmem:s17+$0x0];
	[tilespmem:s18+$0x0 ss:$0x81] =	vst.msk $0xffff, v0;
	s18 =	sadd.s32 s21, s16;
	(pc) =	sbr.rel @p1 .LBB1_3-.Ltmp3, $4  }
0x43: {  	v2 =	vld [tilespmem:s17+$0x10];
	[tilespmem:s18+$0x3870 ss:$0x81] =	vst.msk $0xffff, v4  }
0x44: {  	[tilespmem:s18+$0x810 ss:$0x81] =	vst.msk $0xffff, v5;
	v3 =	vld [tilespmem:s17+$0x20]  }
0x45: {  	v0 =	vld [tilespmem:s17+$0xFFFFFFC0];
	[tilespmem:s18+$0x1020 ss:$0x81] =	vst.msk $0xffff, v6;
	s17 =	sadd.s32 $0x80, s17  }
0x46: {  	s20 =	sadd.s32 $0x4, s20;
	v4 =	vld [tilespmem:s17+$0x30];
	[tilespmem:s18+$0x1830 ss:$0x81] =	vst.msk $0xffff, v7  }
.Ltmp4:
0x47: {  	_ = 	snop;
	(pc) =	sbr.rel .LBB1_4-.Ltmp4, $1  }
0x48: {  	_ =	sdelay $0x3  }
.LBB1_6:
0x49: {  	_ =	sfence.sel $0x180000  }
0x4a: {  	s2 =	simm.s32 $0x1;
	[bflag:$0x0] =	sbarrier.arrive $0xFFFF  }
0x4b: {  	s31 =	simm.s32 $0x2;
	[sflag:s2] =	ssyncpa.u1 $0x1  }
0x4c: {  	[sflag:s31] =	ssyncpa.u1 $0x1  }
0x4d: {  	p0 =	sne.s32 s1, $0x0;
	_ =	strace $0x9000004A  }
0x4e: {  	s0 =	sadd.s32 @!p0 $0x100000, s0;
	[bflag:$0x2] =	sbarrier.arrive $0xFFFF  }
0x4f: {  	[sflag:s0] =	ssyncadd.tile.s32 @!p0 $0x1;
	_ =	shalt  }
.Lfunc_end1:
_tile_overlayer_lowered:
.L_overlay_start_2:
0x50: {  	(tag) =	ssettag $0x2  }
0x51: {  	s0 =	rddreg [dreg:$0x0];
	s2 =	stileid.u32  }
0x52: {  	s1 =	rddreg [dreg:$0x1];
	p0 =	sne.s32 s2, $0x0  }
0x53: {  	s3 =	rddreg [dreg:$0x2];
	[bflag:$0x3] =	sbarrier.arrive $0xFFFF;
	s2 =	simm.s32 @!p0 $0x1C01  }
0x54: {  	[timem:s3], [sflag:s2] =	dma.local @!p0 [hbm:s0], s1  }
0x55: {  	s0 =	simm.s32 @!p0 $0x1  }
0x56: {  	_ =	swait.ge @!p0 [sflag:s0], s1  }
0x57: {  	s1 =	ssub.s32 @!p0 $0x0, s1;
	[sflag:s0] =	ssyncset.done @!p0 $0x0  }
0x58: {  	[sflag:s0] =	ssyncadd.s32 @!p0 s1  }
0x59: {  	[bflag:$0x3] =	sbarrier.arrive $0xFFFF  }
0x5a: {  	_ =	shalt  }

// kernel: sparse-core-data-format-call.cloned.1.call-start
scs
called_computation_lowered:
.L_overlay_start_0:
0x0: {  	s2 =	sld [smem:$0x3FD9]  }
0x1: {  	s3 =	sld [smem:$0x3FFE];
	_ =	sdelay $0x1  }
0x2: {  	s1 =	srdreg.scid  }
0x3: {  	s0 =	sand.u32 $0x1, s1  }
0x4: {  	s15 =	sshll.u32 s0, $0xA;
	s2 =	sadd.s32 s3, s2  }
0x5: {  	s2 =	sadd.s32 s2, s15  }
0x6: {  	[smem:$0x3FC6] =	sst s2  }
0x7: {  	_ = 	snop  }
0x8: {  	s2 =	sld [smem:$0x3FD0];
	_ =	sdelay $0x2  }
0x9: {  	s16 =	simm.s32 $0xA;
	s4 =	simm.s32 $0x10  }
0xa: {  	[smem:s4], [sflag:s16] =	dma.local [hbm:s2], $0x1  }
0xb: {  	_ =	swait.eq [sflag:s16], $0x1  }
0xc: {  	[sflag:s16] =	ssyncset.done $0x0  }
0xd: {  	[sflag:s16] =	ssyncadd.s32 $0xFFFFFFFF  }
0xe: {  	s17 =	sld [smem:$0x11];
	(tm) =	ssettm $0x1  }
0xf: {  	s18 =	sld [smem:$0x3FFB];
	_ =	sdelay $0x3  }
0x10: {  	_ =	strace s18  }
0x11: {  	s3 =	sld [smem:$0x3FFC];
	_ =	sdelay $0x3  }
0x12: {  	_ =	strace s3  }
0x13: {  	s3 =	sld [smem:$0x3FFD];
	_ =	sdelay $0x3  }
0x14: {  	_ =	strace s3  }
0x15: {  	_ =	strace $0x8FFFFFFF  }
0x16: {  	s19 =	sld [smem:$0x3FDB];
	_ =	sdelay $0x1  }
0x17: {  	s20 =	simm.s32 $_scs_section_size  }
0x18: {  	s5 =	simm.s32 $_size__tile_overlayer_lowered;
	s6 =	simm.s32 $_tile_overlayer_lowered  }
0x19: {  	s23 =	simm.s32 $0x1BFF;
	s22 =	sshll.u32 s6, $0x1;
	s3 =	sadd.s32 s20, s19  }
0x1a: {  	s7 =	simm.s32 $0x0;
	s21 =	sshll.u32 s5, $0x1;
	s5 =	sadd.s32 s22, s3  }
0x1b: {  	[timem:s7], [sflag:s23] =	dma.local [hbm:s5], s21  }
0x1c: {  	_ =	swait.ge [sflag:s23], s21  }
0x1d: {  	s4 =	ssub.s32 $0x0, s21;
	[sflag:s23] =	ssyncset.done $0x0  }
0x1e: {  	[sflag:s23] =	ssyncadd.s32 s4;
	_ =	sdelay $0x1  }
0x1f: {  	s24 =	simm.s32 $0x1B8B  }
0x20: {  	_ =	swait.ge [sflag:s24], $0x1  }
0x21: {  	[sflag:s24] =	ssyncset.done $0x0  }
0x22: {  	s26 =	simm.s32 $0x1B8E;
	s25 =	sld [smem:$0x3FFE];
	[sflag:s24] =	ssyncadd.s32 $0xFFFFFFFF  }
0x23: {  	s27 =	simm.s32 $execute0_lowered;
	[smem:$0x3FD2] =	sst s26  }
0x24: {  	s5 =	sshll.u32 s27, $0x1;
	_ =	strace $0x8000004C;
	[dreg:$0x1] =	wrdreg $0xFFFFFFFF  }
0x25: {  	s28 =	simm.s32 $_size_execute0_lowered;
	s3 =	sadd.s32 s3, s5;
	[dreg:$0x0] =	wrdreg $0x0  }
0x26: {  	s5 =	sshll.u32 s28, $0x1;
	[dreg:$0x2] =	wrdreg s3  }
0x27: {  	[dreg:$0x3] =	wrdreg s5  }
0x28: {  	[dreg:$0x4] =	wrdreg $0xC0  }
0x29: {  	_ =	task [dreg:s7], $0x5FFFF  }
0x2a: {  	[dreg:$0x1] =	wrdreg $0xFFFFFFFF  }
0x2b: {  	[dreg:$0x0] =	wrdreg $0x60  }
0x2c: {  	[dreg:$0x2] =	wrdreg s25  }
0x2d: {  	[dreg:$0x3] =	wrdreg s17  }
0x2e: {  	[dreg:$0x4] =	wrdreg $0x9  }
0x2f: {  	_ =	task.clear_ibuf [dreg:s7], $0x5FFFF;
	_ =	strace $0x9000004C  }
0x30: {  	s29 =	simm.s32 $0x9;
	_ =	strace $0x8000004E  }
0x31: {  	_ =	swait.ge [sflag:s29], $0x1  }
0x32: {  	[sflag:s29] =	ssyncadd.s32 $0xFFFFFFFF  }
0x33: {  	_ =	strace $0x9000004E  }
0x34: {  	_ =	sfence  }
0x35: {  	s30 =	sld [smem:$0x0];
	_ =	sdelay $0x2  }
0x36: {  	s31 =	sshll.u32 s1, $0xD;
	s1 =	sshrl.u32 s1, $0x2  }
0x37: {  	s3 =	sand.u32 $0x4000, s31;
	s1 =	sadd.s32 s1, s30  }
0x38: {  	s0 =	sor.u32 s3, s0;
	s1 =	sshll.u32 s1, $0x11  }
0x39: {  	s0 =	sor.u32 s1, s0  }
0x3a: {  	s0 =	sadd.s32 $0x8F2B, s0  }
0x3b: {  	[sflag:s0] =	ssyncadd.remote.s32 $0x1  }
0x3c: {  	_ =	sfence.sel $0xFFFF  }
0x3d: {  	[dreg:$0x0] =	wrdreg $0xFFFFFFFF;
	(pc) =	sbr.abs _section_cstart, $3  }
0x3e: {  	[dreg:$0x1] =	wrdreg $0xFFFFFFFF  }
0x3f: {  	_ =	task.clear_ibuf [dreg:s7], $0x2FFFF;
	_ =	strace $0x9FFFFFFF  }
0x40: {  	(tm) =	ssettm $0x7FFFFFFF  }
0x41: {  	_ =	shalt  }
tec
execute0_lowered:
.L_overlay_start_1:
0x0: {  	(tag) =	ssettag $0x1  }
0x1: {  	s0 =	stileid.u32;
	s10 =	rddreg [dreg:$0x0]  }
0x2: {  	s1 =	srdreg.scid;
	s4 =	rddreg [dreg:$0x1]  }
0x3: {  	_ =	strace $0x8000004D;
	s31 =	simm.s32 $0x2;
	s18 =	simm.s32 $0x0  }
0x4: {  	s12 =	simm.s32 $0x1000;
	s2 =	sshll.u32 s0, $0x6;
	s1 =	sshll.u32 s1, $0xA  }
0x5: {  	s17 =	simm.s32 $0x0;
	s3 =	sshll.u32 s0, $0x2;
	s2 =	sor.u32 s2, s1  }
0x6: {  	s19 =	simm.s32 $0x0;
	s1 =	sand.u32 $0x4, s3;
	s2 =	sand.u32 $0x780, s2  }
0x7: {  	s13 =	simm.s32 $0x0;
	s3 =	ssub.s32 $0x8, s1;
	s5 =	ssub.s32 $0x800, s2  }
0x8: {  	s16 =	simm.s32 $0x0;
	s6 =	sshrl.u32 s3, $0x3;
	s7 =	sand.u32 $0x780, s5  }
0x9: {  	s3 =	sshrl.u32 s3, $0x2;
	p0 =	sne.s32 s7, $0x0;
	s7 =	simm.s32 $0x1  }
0xa: {  	s8 =	sand.u32 $0x1, s3;
	s5 =	sshrl.u32 s5, $0xB;
	s7 =	simm.s32 @!p0 $0x0  }
.Ltmp0:
0xb: {  	s6 =	sadd.s32 s6, s8;
	s7 =	sadd.s32 s7, s5;
	(pc) =	sbr.rel .LBB1_1-.Ltmp0, $4  }
0xc: {  	s9 =	sadd.s32 $0x41200, s10;
	s15 =	smov.u32 s1;
	s7 =	smul.u32 s7, s6  }
0xd: {  	s14 =	smov.u32 s2;
	s8 =	sadd.s32 $0x21200, s10;
	s5 =	simm.s32 $0x1  }
0xe: {  	s6 =	sadd.s32 $0x1200, s10;
	[sflag:s5] =	ssyncpa.u1 $0x0;
	s7 =	sshll.u32 s7, $0x4  }
0xf: {  	s10 =	sadd.s32 $0x61200, s10;
	[sflag:s31] =	ssyncpa.u1 $0x0;
	s11 =	sor.u32 $0x1, s7  }
.LBB1_7:
0x10: {  	s3 =	sadd.s32 $0x80, s13  }
0x11: {  	s17 =	sadd.s32 $0x800, s14;
	s20 =	smov.u32 s14;
	p1 =	sgt.s32 s3, $0x7FF  }
0x12: {  	s20 =	smov.u32 @p1 s17  }
0x13: {  	s22 =	smov.u32 s15;
	s17 =	sadd.s32 $0x8, s15;
	p2 =	sgt.s32 s20, $0x7FF  }
0x14: {  	s22 =	smov.u32 @p2 s17  }
0x15: {  	s3 =	simm.s32 @p1 $0x0;
	p1 =	sgt.s32 s22, $0x7  }
0x16: {  	p0 =	slt.u32 s16, $0x2;
	s22 =	smov.u32 @p1 s1;
	p1 =	sne.s32 s16, s11  }
.Ltmp1:
0x17: {  	s21 =	simm.s32 @!p0 $0x2;
	(pc) =	sbr.rel @!p1 .LBB1_8-.Ltmp1, $4  }
0x18: {  	s18 =	smov.u32 s13;
	_ =	swait.ge @!p0 [sflag:s21], $0x4000  }
0x19: {  	s19 =	smov.u32 s15;
	[sflag:s21] =	ssyncset.done @!p0 $0x0;
	s13 =	smov.u32 s3  }
0x1a: {  	s20 =	smov.u32 @p2 s2;
	s17 =	smov.u32 s14;
	[sflag:s21] =	ssyncadd.s32 @!p0 $0xFFFFC000  }
0x1b: {  	s14 =	smov.u32 s20;
	s16 =	sadd.s32 $0x1, s16;
	s15 =	smov.u32 s22  }
.LBB1_1:
0x1c: {  	p0 =	sge.u32 s16, s7  }
0x1d: {  	s20 =	sshll.u32 @!p0 s14, $0xB  }
0x1e: {  	s21 =	sshll.u32 @!p0 s13, $0x3;
	s22 =	sshll.u32 @!p0 s14, $0x7;
	s23 =	sshll.u32 @!p0 s13, $0x2  }
0x1f: {  	s20 =	sand.u32 @!p0 $0x3FC000, s20;
	s22 =	sand.u32 @!p0 $0x200, s22;
	s24 =	sand.u32 @!p0 $0x400, s21  }
0x20: {  	s20 =	sadd.s32 @!p0 s20, s21;
	s21 =	sand.u32 @!p0 $0x1E0, s23;
	s22 =	sor.u32 @!p0 s22, s24  }
0x21: {  	s26 =	sand.u32 @!p0 $0x7, s13;
	s21 =	sor.u32 @!p0 s21, s22;
	s20 =	sshrl.u32 @!p0 s20, $0x5  }
0x22: {  	s22 =	sshll.u32 @!p0 s15, $0x11;
	s20 =	sand.u32 @!p0 $0x1FFC0, s20;
	s21 =	sshrl.u32 @!p0 s21, $0x5  }
0x23: {  	s23 =	sxor.u32 @!p0 $0xFFFFFFFF, s16;
	s24 =	sor.u32 @!p0 s20, s22;
	s25 =	sadd.s32 @!p0 s6, s21  }
0x24: {  	s23 =	sshll.u32 @!p0 s23, $0xE;
	s24 =	sadd.s32 @!p0 s24, s25;
	s25 =	sshll.u32 @!p0 s26, $0x12  }
0x25: {  	s23 =	sand.u32 @!p0 $0x4000, s23;
	s26 =	simm.s32 @!p0 $0x1000;
	s25 =	sor.u32 @!p0 $0x100, s25  }
0x26: {  	[tilespmem:s23], [sflag:$0x1] =	stream.strided.gather @!p0 [hbm4b:s24+s25], $0x1000, s26, s25, $0x38;
	[tilespmem:$0x10100] =	vst v63  }
0x27: {  	s24 =	sadd.s32 @!p0 s22, s8  }
0x28: {  	s24 =	sadd.s32 @!p0 s20, s24  }
0x29: {  	s27 =	sor.u32 @!p0 $0x1000, s23;
	s24 =	sadd.s32 @!p0 s21, s24  }
0x2a: {  	[tilespmem:s27], [sflag:$0x1] =	stream.strided.gather @!p0 [hbm4b:s24+s25], $0x1000, s26, s25, $0x38;
	[tilespmem:$0x10100] =	vst v63  }
0x2b: {  	s24 =	sadd.s32 @!p0 s22, s9  }
0x2c: {  	s22 =	sadd.s32 @!p0 s22, s10;
	s24 =	sadd.s32 @!p0 s20, s24  }
0x2d: {  	s27 =	sor.u32 @!p0 $0x2000, s23;
	s20 =	sadd.s32 @!p0 s20, s22;
	s24 =	sadd.s32 @!p0 s21, s24  }
0x2e: {  	[tilespmem:s27], [sflag:$0x1] =	stream.strided.gather @!p0 [hbm4b:s24+s25], $0x1000, s26, s25, $0x38;
	[tilespmem:$0x10100] =	vst v63  }
0x2f: {  	s31 =	sadd.s32 $0xFFFFFFFF, s16;
	s20 =	sadd.s32 @!p0 s21, s20;
	s21 =	sor.u32 @!p0 $0x3000, s23  }
0x30: {  	[tilespmem:s21], [sflag:$0x1] =	stream.strided.gather @!p0 [hbm4b:s20+s25], $0x1000, s26, s25, $0x38;
	[tilespmem:$0x10100] =	vst v63  }
0x31: {  	p0 =	sge.u32 s31, s7  }
.Ltmp2:
0x32: {  	_ = 	snop;
	(pc) =	sbr.rel @p0 .LBB1_7-.Ltmp2, $1  }
0x33: {  	_ =	sdelay $0x3  }
0x34: {  	s20 =	sand.u32 $0x1, s16  }
0x35: {  	_ =	swait.ge [sflag:s5], $0x4000;
	s21 =	smul.u32 $0x10200, s20  }
0x36: {  	[sflag:s5] =	ssyncset.done $0x0  }
0x37: {  	[sflag:s5] =	ssyncadd.s32 $0xFFFFC000;
	s22 =	sshrl.u32 s21, $0x2  }
0x38: {  	s21 =	sshll.u32 s20, $0xE;
	s20 =	sor.u32 $0x8000, s22;
	s22 =	simm.s32 $0x0  }
.LBB1_3:
0x39: {  	s23 =	sshll.u32 s22, $0x5  }
0x3a: {  	s24 =	sand.u32 $0x3FFFFFE0, s23  }
0x3b: {  	s27 =	sadd.s32 s24, s21  }
0x3c: {  	v0 =	vmov s27  }
0x3d: {  	s23 =	sshll.u32 s22, $0x2  }
0x3e: {  	p0 =	por $0x1, $0x1;
	s31 =	sor.u32 $0x4, s23  }
0x3f: {  	s25 =	sor.u32 $0x8, s23;
	s26 =	sor.u32 $0xC, s23;
	s24 =	sshrl.u32 s31, $0x2  }
0x40: {  	s25 =	sshrl.u32 s25, $0x2;
	s26 =	sshrl.u32 s26, $0x2;
	s27 =	simm.s32 $0x0  }
.LBB1_4:
0x41: {  	v1 =	vld.idx.msk [tilespmem:v0+s27+$0x0 ss:$0x1], $0xffff  }
0x42: {  	v2 =	vld.idx.msk [tilespmem:v0+s27+$0x1000 ss:$0x1], $0xffff;
	_ =	sdelay $0x1  }
0x43: {  	v3 =	vld.idx.msk [tilespmem:v0+s27+$0x2000 ss:$0x1], $0xffff  }
0x44: {  	v6 =	vld.idx.msk [tilespmem:v0+s27+$0x3000 ss:$0x1], $0xffff  }
0x45: {  	v17 =	vld.idx.msk [tilespmem:v0+s27+$0x10 ss:$0x1], $0xffff;
	v4 =	vshrl.u32 v1, $0x10;
	v5 =	vshrl.u32 v1, $0x8  }
0x46: {  	v7 =	vshrl.u32 v1, $0x18;
	v1 =	vand.u32 $0xFF, v1;
	v8 =	vshrl.u32 v2, $0x10  }
0x47: {  	v47 =	vld.idx.msk [tilespmem:v0+s27+$0x1010 ss:$0x1], $0xffff;
	v9 =	vshrl.u32 v2, $0x8;
	v10 =	vshrl.u32 v2, $0x18;
	v2 =	vand.u32 $0xFF, v2  }
0x48: {  	v51 =	vld.idx.msk [tilespmem:v0+s27+$0x2010 ss:$0x1], $0xffff;
	v11 =	vshrl.u32 v3, $0x10;
	v12 =	vshrl.u32 v3, $0x8;
	v13 =	vshrl.u32 v3, $0x18  }
0x49: {  	v54 =	vld.idx.msk [tilespmem:v0+s27+$0x3010 ss:$0x1], $0xffff;
	v3 =	vand.u32 $0xFF, v3;
	v14 =	vshrl.u32 v6, $0x18;
	v15 =	vshrl.u32 v6, $0x10  }
0x4a: {  	v16 =	vshrl.u32 v6, $0x8;
	v6 =	vand.u32 $0xFF, v6;
	v52 =	vshrl.u32 v17, $0x10  }
0x4b: {  	v53 =	vshrl.u32 v17, $0x8;
	v55 =	vshrl.u32 v17, $0x18;
	v56 =	vand.u32 $0xFF, v17  }
0x4c: {  	v57 =	vshrl.u32 v47, $0x10;
	v58 =	vshrl.u32 v47, $0x8;
	v59 =	vshrl.u32 v47, $0x18  }
0x4d: {  	v60 =	vshrl.u32 v51, $0x10;
	v61 =	vshrl.u32 v51, $0x8;
	v62 =	vshrl.u32 v51, $0x18  }
0x4e: {  	s28 =	sor.u32 $0x20, s27;
	v18 =	vshrl.u32 v54, $0x18;
	v19 =	vshrl.u32 v54, $0x10;
	v20 =	vshrl.u32 v54, $0x8  }
0x4f: {  	v63 =	vld.idx.msk [tilespmem:v0+s28+$0x0 ss:$0x1], $0xffff;
	v4 =	vand.u32 $0xFF, v4;
	v5 =	vand.u32 $0xFF, v5;
	v8 =	vand.u32 $0xFF, v8  }
0x50: {  	v23 =	vld.idx.msk [tilespmem:v0+s28+$0x1000 ss:$0x1], $0xffff;
	v9 =	vand.u32 $0xFF, v9;
	v11 =	vand.u32 $0xFF, v11;
	v12 =	vand.u32 $0xFF, v12  }
0x51: {  	v25 =	vld.idx.msk [tilespmem:v0+s28+$0x2000 ss:$0x1], $0xffff;
	v15 =	vand.u32 $0xFF, v15;
	v16 =	vand.u32 $0xFF, v16;
	v1 =	vpack.i.b32.b16 v3, v1  }
0x52: {  	v28 =	vld.idx.msk [tilespmem:v0+s28+$0x3000 ss:$0x1], $0xffff;
	v2 =	vpack.i.b32.b16 v6, v2;
	v49 =	vpack.i.b32.b16 v13, v7;
	v50 =	vpack.i.b32.b16 v14, v10  }
0x53: {  	v6 =	vand.u32 $0xFF, v52;
	v13 =	vand.u32 $0xFF, v58;
	v7 =	vand.u32 $0xFF, v51  }
0x54: {  	v19 =	vand.u32 $0xFF, v19;
	v20 =	vand.u32 $0xFF, v20;
	v26 =	vpack.i.b32.b16 v62, v55  }
0x55: {  	v27 =	vpack.i.b32.b16 v18, v59;
	v29 =	vshrl.u32 v63, $0x10;
	v30 =	vshrl.u32 v63, $0x8  }
0x56: {  	v31 =	vshrl.u32 v63, $0x18;
	v32 =	vshrl.u32 v23, $0x10;
	v33 =	vshrl.u32 v23, $0x8  }
0x57: {  	v34 =	vshrl.u32 v23, $0x18;
	v35 =	vand.u32 $0xFF, v25;
	v36 =	vand.u32 $0xFF, v28  }
0x58: {  	v37 =	vshrl.u32 v25, $0x8;
	v38 =	vshrl.u32 v28, $0x8;
	v39 =	vshrl.u32 v25, $0x18  }
0x59: {  	v41 =	vshrl.u32 v28, $0x10;
	v1 =	vpack.i.b16.b8 v2, v1;
	v2 =	vpack.i.b32.b16 v12, v5  }
0x5a: {  	v3 =	vpack.i.b32.b16 v16, v9;
	v48 =	vpack.i.b32.b16 v15, v8;
	v8 =	vand.u32 $0xFF, v53  }
0x5b: {  	v12 =	vand.u32 $0xFF, v57;
	v5 =	vand.u32 $0xFF, v47;
	v15 =	vand.u32 $0xFF, v60  }
0x5c: {  	s30 =	smul.u32 $0x204, s27;
	v16 =	vand.u32 $0xFF, v61;
	v9 =	vand.u32 $0xFF, v54;
	v7 =	vpack.i.b32.b16 v7, v56  }
0x5d: {  	s29 =	sor.u32 $0x30, s27;
	v22 =	vpack.i.b32.b16 v20, v13;
	v10 =	vand.u32 $0xFF, v29;
	v14 =	vand.u32 $0xFF, v30  }
0x5e: {  	s27 =	sshra.s32 s30, $0x2;
	s30 =	sand.u32 $0x60, s29;
	v17 =	vand.u32 $0xFF, v33;
	v20 =	vand.u32 $0xFF, v38;
	v42 =	vand.u32 $0xFF, v41  }
0x5f: {  	v40 =	vld.idx.msk [tilespmem:v0+s30+$0x10 ss:$0x1], $0xffff;
	v45 =	vpack.i.b32.b16 v39, v31;
	v2 =	vpack.i.b16.b8 v3, v2;
	v3 =	vpack.i.b32.b16 v11, v4  }
0x60: {  	v43 =	vld.idx.msk [tilespmem:v0+s30+$0x1010 ss:$0x1], $0xffff;
	v4 =	vpack.i.b16.b8 v50, v49;
	v5 =	vpack.i.b32.b16 v9, v5;
	v21 =	vpack.i.b32.b16 v16, v8  }
0x61: {  	v46 =	vld.idx.msk [tilespmem:v0+s30+$0x2010 ss:$0x1], $0xffff;
	v6 =	vpack.i.b32.b16 v15, v6;
	v24 =	vpack.i.b32.b16 v19, v12;
	v8 =	vpack.i.b16.b8 v27, v26  }
0x62: {  	v11 =	vand.u32 $0xFF, v63;
	v16 =	vand.u32 $0xFF, v32;
	v9 =	vand.u32 $0xFF, v23  }
0x63: {  	v19 =	vand.u32 $0xFF, v37;
	v12 =	vshrl.u32 v25, $0x10;
	v17 =	vpack.i.b32.b16 v20, v17  }
0x64: {  	v47 =	vshrl.u32 v40, $0x8;
	v49 =	vshrl.u32 v40, $0x18;
	v50 =	vand.u32 $0xFF, v40  }
0x65: {  	s31 =	sadd.s32 s27, s20;
	s27 =	sshrl.u32 s23, $0x2;
	v51 =	vshrl.u32 v43, $0x10;
	v52 =	vshrl.u32 v43, $0x8;
	v53 =	vshrl.u32 v43, $0x18  }
0x66: {  	s3 =	sadd.s32 s27, s31;
	v54 =	vand.u32 $0xFF, v43;
	v55 =	vshrl.u32 v46, $0x10;
	v56 =	vshrl.u32 v46, $0x8  }
0x67: {  	[tilespmem:s3+$0x0 ss:$0x81] =	vst.msk $0xffff, v1;
	s3 =	sadd.s32 s24, s31;
	v57 =	vshrl.u32 v46, $0x18;
	v58 =	vand.u32 $0xFF, v46;
	v3 =	vpack.i.b16.b8 v48, v3  }
0x68: {  	v5 =	vpack.i.b16.b8 v5, v7;
	v7 =	vpack.i.b16.b8 v22, v21;
	v6 =	vpack.i.b16.b8 v24, v6;
	[tilespmem:s3+$0x0 ss:$0x81] =	vst.msk $0xffff, v2;
	s3 =	sadd.s32 s25, s31  }
0x69: {  	v11 =	vpack.i.b32.b16 v35, v11;
	v9 =	vpack.i.b32.b16 v36, v9;
	v14 =	vpack.i.b32.b16 v19, v14;
	[tilespmem:s3+$0x0 ss:$0x81] =	vst.msk $0xffff, v3;
	s3 =	sadd.s32 s26, s31;
	s31 =	sadd.s32 $0x810, s31  }
0x6a: {  	s28 =	smul.u32 $0x204, s28;
	v1 =	vand.u32 $0xFF, v12;
	v2 =	vshrl.u32 v28, $0x18;
	v44 =	vpack.i.b32.b16 v42, v16;
	v48 =	vld.idx.msk [tilespmem:v0+s30+$0x3010 ss:$0x1], $0xffff;
	[tilespmem:s3+$0x0 ss:$0x81] =	vst.msk $0xffff, v4;
	s30 =	sadd.s32 s27, s31  }
0x6b: {  	v13 =	vand.u32 $0xFF, v51;
	v15 =	vand.u32 $0xFF, v52;
	v16 =	vand.u32 $0xFF, v55;
	[tilespmem:s30+$0x0 ss:$0x81] =	vst.msk $0xffff, v5;
	s30 =	sadd.s32 s24, s31  }
0x6c: {  	s28 =	sshra.s32 s28, $0x2;
	v9 =	vpack.i.b16.b8 v9, v11;
	v14 =	vpack.i.b16.b8 v17, v14;
	v1 =	vpack.i.b32.b16 v1, v10;
	[tilespmem:s30+$0x0 ss:$0x81] =	vst.msk $0xffff, v7;
	s30 =	sadd.s32 s25, s31  }
0x6d: {  	s28 =	sadd.s32 s28, s20;
	v2 =	vpack.i.b32.b16 v2, v34;
	v3 =	vshrl.u32 v40, $0x10;
	v10 =	vand.u32 $0xFF, v47;
	[tilespmem:s30+$0x0 ss:$0x81] =	vst.msk $0xffff, v6;
	s30 =	sadd.s32 s26, s31  }
0x6e: {  	s29 =	smul.u32 $0x204, s29;
	v17 =	vand.u32 $0xFF, v56;
	v1 =	vpack.i.b16.b8 v44, v1;
	v2 =	vpack.i.b16.b8 v2, v45;
	s31 =	sadd.s32 s27, s28;
	[tilespmem:s30+$0x0 ss:$0x81] =	vst.msk $0xffff, v8  }
0x6f: {  	v3 =	vand.u32 $0xFF, v3;
	v62 =	vpack.i.b32.b16 v17, v10;
	v5 =	vpack.i.b32.b16 v58, v50;
	[tilespmem:s31+$0x0 ss:$0x81] =	vst.msk $0xffff, v9;
	s30 =	sadd.s32 s24, s28  }
0x70: {  	s29 =	sshra.s32 s29, $0x2;
	v3 =	vpack.i.b32.b16 v16, v3;
	v61 =	vshrl.u32 v48, $0x8;
	v4 =	vand.u32 $0xFF, v48;
	s31 =	sadd.s32 s25, s28;
	[tilespmem:s30+$0x0 ss:$0x81] =	vst.msk $0xffff, v14  }
0x71: {  	p1 =	por p0, p0;
	v60 =	vshrl.u32 v48, $0x10;
	v9 =	vand.u32 $0xFF, v61;
	v4 =	vpack.i.b32.b16 v4, v54;
	s30 =	sadd.s32 s26, s28;
	s28 =	sadd.s32 s29, s20;
	[tilespmem:s31+$0x0 ss:$0x81] =	vst.msk $0xffff, v1  }
.Ltmp3:
0x72: {  	v63 =	vpack.i.b32.b16 v9, v15;
	v1 =	vand.u32 $0xFF, v60;
	s31 =	sadd.s32 s27, s28;
	[tilespmem:s30+$0x0 ss:$0x81] =	vst.msk $0xffff, v2;
	v2 =	vpack.i.b16.b8 v4, v5;
	(pc) =	sbr.rel @p1 .LBB1_4-.Ltmp3, $4  }
0x73: {  	v59 =	vshrl.u32 v48, $0x18;
	s29 =	sadd.s32 s24, s28;
	v1 =	vpack.i.b32.b16 v1, v13;
	[tilespmem:s31+$0x0 ss:$0x81] =	vst.msk $0xffff, v2;
	v2 =	vpack.i.b16.b8 v63, v62  }
0x74: {  	s30 =	sadd.s32 s25, s28;
	v1 =	vpack.i.b16.b8 v1, v3;
	v3 =	vpack.i.b32.b16 v59, v53;
	[tilespmem:s29+$0x0 ss:$0x81] =	vst.msk $0xffff, v2;
	v2 =	vpack.i.b32.b16 v57, v49  }
0x75: {  	s31 =	sadd.s32 s26, s28;
	[tilespmem:s30+$0x0 ss:$0x81] =	vst.msk $0xffff, v1;
	v1 =	vpack.i.b16.b8 v3, v2  }
0x76: {  	p0 =	por $0x0, $0x0;
	s27 =	simm.s32 $0x40;
	[tilespmem:s31+$0x0 ss:$0x81] =	vst.msk $0xffff, v1  }
0x77: {  	p0 =	slt.u32 s22, $0x7C  }
.Ltmp4:
0x78: {  	_ = 	snop;
	(pc) =	sbr.rel @p0 .LBB1_3-.Ltmp4, $3  }
0x79: {  	_ =	sdelay $0x1  }
0x7a: {  	s3 =	sadd.s32 $0x4, s22  }
0x7b: {  	s22 =	smov.u32 s3  }
0x7c: {  	s3 =	sshll.u32 s17, $0x3;
	s19 =	sshll.u32 s19, $0x7  }
0x7d: {  	s21 =	sshll.u32 s17, $0x2;
	s18 =	sshll.u32 s18, $0x9;
	s30 =	sshrl.u32 s17, $0x2  }
0x7e: {  	s31 =	sand.u32 $0x7, s17;
	s19 =	sand.u32 $0x200, s19;
	s3 =	sand.u32 $0x400, s3  }
.Ltmp5:
0x7f: {  	s21 =	sand.u32 $0x1E0, s21;
	s3 =	sor.u32 s19, s3;
	(pc) =	sbr.rel .LBB1_7-.Ltmp5, $4  }
0x80: {  	s18 =	sadd.s32 s4, s18;
	s19 =	sand.u32 $0x1C0, s30;
	s3 =	sor.u32 s21, s3  }
0x81: {  	s17 =	sshll.u32 s31, $0x12;
	s18 =	sadd.s32 s19, s18;
	s3 =	sshrl.u32 s3, $0x5  }
0x82: {  	s17 =	sor.u32 $0x80, s17;
	s3 =	sadd.s32 s3, s18  }
0x83: {  	[hbm4b:s3+s17] =	stream.strided.scatter [tilespmem:s20], [sflag:$0x2], $0x4000, s12, s17, $0x20;
	[tilespmem:$0x10100] =	vst v63  }
.LBB1_8:
0x84: {  	_ =	sfence.sel $0x180000  }
0x85: {  	s1 =	simm.s32 $0x1;
	[bflag:$0x0] =	sbarrier.arrive $0xFFFF  }
0x86: {  	s31 =	simm.s32 $0x2;
	[sflag:s1] =	ssyncpa.u1 $0x1  }
0x87: {  	[sflag:s31] =	ssyncpa.u1 $0x1  }
0x88: {  	_ =	strace $0x9000004D  }
0x89: {  	[bflag:$0x2] =	sbarrier.arrive $0xFFFF  }
0x8a: {  	p0 =	sne.s32 s0, $0x0;
	s0 =	rddreg [dreg:$0x2]  }
0x8b: {  	s0 =	sadd.s32 @!p0 $0x100000, s0  }
0x8c: {  	[sflag:s0] =	ssyncadd.tile.s32 @!p0 $0x1;
	_ =	shalt  }
.Lfunc_end1:
_tile_overlayer_lowered:
.L_overlay_start_2:
0x8d: {  	(tag) =	ssettag $0x2  }
0x8e: {  	s0 =	rddreg [dreg:$0x0];
	s2 =	stileid.u32  }
0x8f: {  	s1 =	rddreg [dreg:$0x1];
	p0 =	sne.s32 s2, $0x0  }
0x90: {  	s3 =	rddreg [dreg:$0x2];
	[bflag:$0x3] =	sbarrier.arrive $0xFFFF;
	s2 =	simm.s32 @!p0 $0x1C01  }
0x91: {  	[timem:s3], [sflag:s2] =	dma.local @!p0 [hbm:s0], s1  }
0x92: {  	s0 =	simm.s32 @!p0 $0x1  }
0x93: {  	_ =	swait.ge @!p0 [sflag:s0], s1  }
0x94: {  	s1 =	ssub.s32 @!p0 $0x0, s1;
	[sflag:s0] =	ssyncset.done @!p0 $0x0  }
0x95: {  	[sflag:s0] =	ssyncadd.s32 @!p0 s1  }
0x96: {  	[bflag:$0x3] =	sbarrier.arrive $0xFFFF  }
0x97: {  	_ =	shalt  }

</sc_bundles>
